<compile_context>
chip_gen: v7x
topology: tpu7x:2x2x1
jax: 0.10.2.dev20260603
libtpu: 0.0.44.dev20260713+nightly
codegen_flags: <defaults>
</compile_context>

<pallas_src>
import functools

import jax
import jax.numpy as jnp
from jax import lax
from jax.experimental import pallas as pl
from jax.experimental.pallas import tpu as pltpu
from jax.experimental.pallas import tpu_sc as plsc

_BATCH = 4096
_SEQ = 200
_DIM = 64
_CLS = 50
_VROW = 128
_NW = 32
_BPW = _BATCH // _NW
_NBUF = 2
_NCHUNK = _BPW // _NBUF
_SPLITS = ((0, 104), (104, 96))


def _pool_body(x_hbm, tbl_hbm, split_hbm, out_hbm, idx_v, rows_v, pool_v,
               split_v, sems):
    wid = lax.axis_index("s") * 2 + lax.axis_index("c")
    base = wid * _BPW
    pltpu.sync_copy(x_hbm.at[pl.ds(base * _SEQ, _BPW * _SEQ)], idx_v)
    pltpu.sync_copy(split_hbm.at[pl.ds(base, _BPW)], split_v)

    def issue(b, j):
        for (o, n) in _SPLITS:
            pltpu.async_copy(
                tbl_hbm.at[idx_v.at[pl.ds(b * _SEQ + o, n)]],
                rows_v.at[j, pl.ds(o, n)],
                sems.at[j],
            )

    def wait(j):
        pltpu.make_async_copy(
            tbl_hbm.at[pl.ds(0, _SEQ)], rows_v.at[j], sems.at[j]
        ).wait()

    def accumulate(b, j):
        zero = jnp.zeros((16,), jnp.float32)
        sv = split_v[pl.ds((b // 16) * 16, 16)]
        lane = jnp.int32(b % 16)
        n_even = jnp.sum(jnp.where(lax.iota(jnp.int32, 16) == lane, sv, 0))

        def make_body(col):
            def body(s, accs):
                accs = list(accs)
                for d in range(4):
                    accs[d] = accs[d] + rows_v[j, s, pl.ds(col + d * 16, 16)]
                return tuple(accs)
            return body

        accs = lax.fori_loop(0, n_even, make_body(0), (zero,) * 4)
        accs = lax.fori_loop(n_even, _SEQ, make_body(_DIM), accs)
        scale = jnp.float32(1.0 / _SEQ)
        for d in range(4):
            pool_v[b, pl.ds(d * 16, 16)] = accs[d] * scale

    for j in range(_NBUF):
        issue(j, j)

    def chunk(t, carry):
        for j in range(_NBUF):
            b = t * _NBUF + j
            wait(j)
            accumulate(b, j)
            issue(b + _NBUF, j)
        return carry

    lax.fori_loop(0, _NCHUNK - 1, chunk, 0)
    for j in range(_NBUF):
        wait(j)
        accumulate((_NCHUNK - 1) * _NBUF + j, j)

    pltpu.sync_copy(pool_v, out_hbm.at[pl.ds(base, _BPW)])


_pool = functools.partial(
    pl.kernel,
    out_type=jax.ShapeDtypeStruct((_BATCH, _DIM), jnp.float32),
    mesh=plsc.VectorSubcoreMesh(core_axis_name="c", subcore_axis_name="s"),
    scratch_types=[
        pltpu.VMEM((_BPW * _SEQ,), jnp.int32),
        pltpu.VMEM((_NBUF, _SEQ, _VROW), jnp.float32),
        pltpu.VMEM((_BPW, _DIM), jnp.float32),
        pltpu.VMEM((_BPW,), jnp.int32),
        pltpu.SemaphoreType.DMA((_NBUF,)),
    ],
    compiler_params=pltpu.CompilerParams(needs_layout_passes=False),
)(_pool_body)


def _head_body(p_ref, w_ref, b_ref, o_ref):
    o_ref[...] = (
        jnp.dot(p_ref[...], w_ref[...], preferred_element_type=jnp.float32)
        + b_ref[...]
    )


def kernel(x, emb_table, W, b):
    x = x.astype(jnp.int32)
    par = x & 1
    even = 1 - par
    n_even = even.sum(axis=1).astype(jnp.int32)
    dest = jnp.where(
        par == 0,
        jnp.cumsum(even, axis=1) - 1,
        n_even[:, None] + jnp.cumsum(par, axis=1) - 1,
    )
    rows_idx = jnp.broadcast_to(
        jnp.arange(_BATCH, dtype=jnp.int32)[:, None], (_BATCH, _SEQ)
    )
    xs = (
        jnp.zeros((_BATCH, _SEQ), jnp.int32)
        .at[rows_idx, dest]
        .add((x >> 1) + 1)
    )
    x2 = (xs - 1).reshape(-1)
    tblv = emb_table.reshape(500000, _VROW)
    pooled = _pool(x2, tblv, n_even)
    out = pl.pallas_call(
        _head_body,
        out_shape=jax.ShapeDtypeStruct((_BATCH, _CLS), jnp.float32),
    )(pooled, W, b.reshape(1, _CLS))
    return out

# --- scband reference (transcript-rebuilt; emitter-appended) ---
"""Pipeline reference for scband-document-classifier-54700703482540 (READ-ONLY COPY).

The authoritative reference and input builder live on the scoring server;
editing this copy changes nothing except your own understanding.
"""

import jax, jax.numpy as jnp
import numpy as np

VOCAB = 1000000
EMBED_DIM = 64
NUM_CLASSES = 50
BATCH = 4096
SEQ = 200

def setup_inputs(seed: int = 0) -> dict:
    key = jax.random.key(seed)
    k1, k2, k3, k4 = jax.random.split(key, 4)
    x = jax.random.randint(k1, (BATCH, SEQ), 0, VOCAB, dtype=jnp.int64 if jax.config.jax_enable_x64 else jnp.int32)
    emb_table = jax.random.normal(k2, (VOCAB, EMBED_DIM), dtype=jnp.float32)
    W = jax.random.normal(k3, (EMBED_DIM, NUM_CLASSES), dtype=jnp.float32) * (1.0 / np.sqrt(EMBED_DIM))
    b = jax.random.normal(k4, (NUM_CLASSES,), dtype=jnp.float32) * 0.01
    return {"x": x, "emb_table": emb_table, "W": W, "b": b}

def reference(x, emb_table, W, b):
    # nn.Embedding lookup -> gather
    embedded = jnp.take(emb_table, x, axis=0)  # [B, S, D]
    # mean over sequence dim
    pooled = embedded.mean(axis=1)  # [B, D]
    # linear head
    output = pooled @ W + b  # [B, C]
    return output

if __name__ == "__main__":
    import jax
    _d = setup_inputs()
    print(jax.jit(kernel)(*tuple(_d.values())))

</pallas_src>

<mosaic_0001>
#map = affine_map<(d0, d1) -> (0)>
#map1 = affine_map<(d0, d1) -> (0, 0)>
module attributes {stable_mosaic.version = 14 : i64} {
  func.func @_pool_body(%arg0: i32, %arg1: i32, %arg2: memref<819200xi32, #tpu.memory_space<hbm>>, %arg3: memref<500000x128xf32, #tpu.memory_space<hbm>>, %arg4: memref<4096xi32, #tpu.memory_space<hbm>>, %arg5: memref<4096x64xf32, #tpu.memory_space<hbm>>, %arg6: memref<25600xi32, #tpu.memory_space<vmem>>, %arg7: memref<2x200x128xf32, #tpu.memory_space<vmem>>, %arg8: memref<128x64xf32, #tpu.memory_space<vmem>>, %arg9: memref<128xi32, #tpu.memory_space<vmem>>, %arg10: memref<2x!tpu.dma_semaphore, #tpu.memory_space<semaphore_mem>>) attributes {dimension_semantics = [#tpu.dimension_semantics<core_parallel>, #tpu.dimension_semantics<subcore_parallel>], iteration_bounds = array<i64: 2, 16>, scalar_prefetch = 0 : i64, scratch_operands = 5 : i64, tpu.core_type = #tpu.core_type<sc_vector_subcore>, window_params = [{transform_indices = #map}, {transform_indices = #map1}, {transform_indices = #map}, {transform_indices = #map1}]} {
    %mul3A = arith.constant 2 : i32
    %mul3A_0 = arith.muli %arg1, %mul3A : i32
    %add3A = arith.addi %mul3A_0, %arg0 : i32
    %mul3A_1 = arith.constant 128 : i32
    %mul3A_2 = arith.muli %add3A, %mul3A_1 : i32
    %mul3A_3 = arith.constant 200 : i32
    %mul3A_4 = arith.muli %mul3A_2, %mul3A_3 : i32
    "tpu.region"() ({
      %run_scoped3A = tpu.sem_alloc : memref<!tpu.dma_semaphore, #tpu.memory_space<semaphore_mem>>
      %dma_start3A_217 = tpu.memref_slice %arg2[%mul3A_4] : memref<819200xi32, #tpu.memory_space<hbm>> -> memref<25600xi32, #tpu.memory_space<hbm>>
      %dma_start3A_218 = tpu.memref_slice %arg2[%mul3A_4] : memref<819200xi32, #tpu.memory_space<hbm>> -> memref<25600xi32, #tpu.memory_space<hbm>>
      tpu.enqueue_dma source(%dma_start3A_218 : memref<25600xi32, #tpu.memory_space<hbm>>) target(%arg6 : memref<25600xi32, #tpu.memory_space<vmem>>) target_semaphore(%run_scoped3A : memref<!tpu.dma_semaphore, #tpu.memory_space<semaphore_mem>>)
      %dma_wait3A_219 = tpu.memref_slice %arg2[%mul3A_4] : memref<819200xi32, #tpu.memory_space<hbm>> -> memref<25600xi32, #tpu.memory_space<hbm>>
      %dma_wait3A_220 = tpu.memref_slice %arg2[%mul3A_4] : memref<819200xi32, #tpu.memory_space<hbm>> -> memref<25600xi32, #tpu.memory_space<hbm>>
      tpu.wait_dma2 semaphore(%run_scoped3A : memref<!tpu.dma_semaphore, #tpu.memory_space<semaphore_mem>>) src(%dma_wait3A_220 : memref<25600xi32, #tpu.memory_space<hbm>>) dst(%arg6 : memref<25600xi32, #tpu.memory_space<vmem>>)
      tpu.yield
    }) : () -> ()
    "tpu.region"() ({
      %run_scoped3A = tpu.sem_alloc : memref<!tpu.dma_semaphore, #tpu.memory_space<semaphore_mem>>
      %dma_start3A_217 = tpu.memref_slice %arg4[%mul3A_2] : memref<4096xi32, #tpu.memory_space<hbm>> -> memref<128xi32, #tpu.memory_space<hbm>>
      %dma_start3A_218 = tpu.memref_slice %arg4[%mul3A_2] : memref<4096xi32, #tpu.memory_space<hbm>> -> memref<128xi32, #tpu.memory_space<hbm>>
      tpu.enqueue_dma source(%dma_start3A_218 : memref<128xi32, #tpu.memory_space<hbm>>) target(%arg9 : memref<128xi32, #tpu.memory_space<vmem>>) target_semaphore(%run_scoped3A : memref<!tpu.dma_semaphore, #tpu.memory_space<semaphore_mem>>)
      %dma_wait3A_219 = tpu.memref_slice %arg4[%mul3A_2] : memref<4096xi32, #tpu.memory_space<hbm>> -> memref<128xi32, #tpu.memory_space<hbm>>
      %dma_wait3A_220 = tpu.memref_slice %arg4[%mul3A_2] : memref<4096xi32, #tpu.memory_space<hbm>> -> memref<128xi32, #tpu.memory_space<hbm>>
      tpu.wait_dma2 semaphore(%run_scoped3A : memref<!tpu.dma_semaphore, #tpu.memory_space<semaphore_mem>>) src(%dma_wait3A_220 : memref<128xi32, #tpu.memory_space<hbm>>) dst(%arg9 : memref<128xi32, #tpu.memory_space<vmem>>)
      tpu.yield
    }) : () -> ()
    %dma_start3A = arith.constant 0 : i32
    %dma_start3A_5 = arith.constant 0 : i32
    %dma_start3A_6 = arith.constant 0 : i32
    %dma_start3A_7 = arith.constant 0 : i32
    %dma_start3A_8 = tpu.memref_slice %arg7[%dma_start3A, %dma_start3A_6, %dma_start3A_7] : memref<2x200x128xf32, #tpu.memory_space<vmem>> -> memref<1x104x128xf32, #tpu.memory_space<vmem>>
    %dma_start3A_9 = tpu.memref_squeeze %dma_start3A_8 : memref<1x104x128xf32, #tpu.memory_space<vmem>> -> memref<104x128xf32, #tpu.memory_space<vmem>>
    %dma_start3A_10 = arith.constant 0 : i32
    %dma_start3A_11 = tpu.memref_slice %arg6[%dma_start3A_10] : memref<25600xi32, #tpu.memory_space<vmem>> -> memref<104xi32, #tpu.memory_space<vmem>>
    %dma_start3A_12 = arith.constant 0 : i32
    %dma_start3A_13 = arith.constant 0 : i32
    %dma_start3A_14 = tpu.memref_slice %arg3[%dma_start3A_12, %dma_start3A_13] : memref<500000x128xf32, #tpu.memory_space<hbm>> -> memref<500000x128xf32, #tpu.memory_space<hbm>>
    %dma_start3A_15 = tpu.memref_slice %arg10[%dma_start3A_5] : memref<2x!tpu.dma_semaphore, #tpu.memory_space<semaphore_mem>> -> memref<1x!tpu.dma_semaphore, #tpu.memory_space<semaphore_mem>>
    %dma_start3A_16 = tpu.memref_squeeze %dma_start3A_15 : memref<1x!tpu.dma_semaphore, #tpu.memory_space<semaphore_mem>> -> memref<!tpu.dma_semaphore, #tpu.memory_space<semaphore_mem>>
    tpu.enqueue_indirect_dma source(%dma_start3A_14 : memref<500000x128xf32, #tpu.memory_space<hbm>>) target(%dma_start3A_9 : memref<104x128xf32, #tpu.memory_space<vmem>>) offsets(%dma_start3A_11 : memref<104xi32, #tpu.memory_space<vmem>>) semaphore(%dma_start3A_16 : memref<!tpu.dma_semaphore, #tpu.memory_space<semaphore_mem>>)
    %dma_start3A_17 = arith.constant 0 : i32
    %dma_start3A_18 = arith.constant 0 : i32
    %dma_start3A_19 = arith.constant 104 : i32
    %dma_start3A_20 = arith.constant 0 : i32
    %dma_start3A_21 = tpu.memref_slice %arg7[%dma_start3A_17, %dma_start3A_19, %dma_start3A_20] : memref<2x200x128xf32, #tpu.memory_space<vmem>> -> memref<1x96x128xf32, #tpu.memory_space<vmem>>
    %dma_start3A_22 = tpu.memref_squeeze %dma_start3A_21 : memref<1x96x128xf32, #tpu.memory_space<vmem>> -> memref<96x128xf32, #tpu.memory_space<vmem>>
    %dma_start3A_23 = arith.constant 104 : i32
    %dma_start3A_24 = tpu.memref_slice %arg6[%dma_start3A_23] : memref<25600xi32, #tpu.memory_space<vmem>> -> memref<96xi32, #tpu.memory_space<vmem>>
    %dma_start3A_25 = arith.constant 0 : i32
    %dma_start3A_26 = arith.constant 0 : i32
    %dma_start3A_27 = tpu.memref_slice %arg3[%dma_start3A_25, %dma_start3A_26] : memref<500000x128xf32, #tpu.memory_space<hbm>> -> memref<500000x128xf32, #tpu.memory_space<hbm>>
    %dma_start3A_28 = tpu.memref_slice %arg10[%dma_start3A_18] : memref<2x!tpu.dma_semaphore, #tpu.memory_space<semaphore_mem>> -> memref<1x!tpu.dma_semaphore, #tpu.memory_space<semaphore_mem>>
    %dma_start3A_29 = tpu.memref_squeeze %dma_start3A_28 : memref<1x!tpu.dma_semaphore, #tpu.memory_space<semaphore_mem>> -> memref<!tpu.dma_semaphore, #tpu.memory_space<semaphore_mem>>
    tpu.enqueue_indirect_dma source(%dma_start3A_27 : memref<500000x128xf32, #tpu.memory_space<hbm>>) target(%dma_start3A_22 : memref<96x128xf32, #tpu.memory_space<vmem>>) offsets(%dma_start3A_24 : memref<96xi32, #tpu.memory_space<vmem>>) semaphore(%dma_start3A_29 : memref<!tpu.dma_semaphore, #tpu.memory_space<semaphore_mem>>)
    %dma_start3A_30 = arith.constant 1 : i32
    %dma_start3A_31 = arith.constant 1 : i32
    %dma_start3A_32 = arith.constant 0 : i32
    %dma_start3A_33 = arith.constant 0 : i32
    %dma_start3A_34 = tpu.memref_slice %arg7[%dma_start3A_30, %dma_start3A_32, %dma_start3A_33] : memref<2x200x128xf32, #tpu.memory_space<vmem>> -> memref<1x104x128xf32, #tpu.memory_space<vmem>>
    %dma_start3A_35 = tpu.memref_squeeze %dma_start3A_34 : memref<1x104x128xf32, #tpu.memory_space<vmem>> -> memref<104x128xf32, #tpu.memory_space<vmem>>
    %dma_start3A_36 = arith.constant 200 : i32
    %dma_start3A_37 = tpu.memref_slice %arg6[%dma_start3A_36] : memref<25600xi32, #tpu.memory_space<vmem>> -> memref<104xi32, #tpu.memory_space<vmem>>
    %dma_start3A_38 = arith.constant 0 : i32
    %dma_start3A_39 = arith.constant 0 : i32
    %dma_start3A_40 = tpu.memref_slice %arg3[%dma_start3A_38, %dma_start3A_39] : memref<500000x128xf32, #tpu.memory_space<hbm>> -> memref<500000x128xf32, #tpu.memory_space<hbm>>
    %dma_start3A_41 = tpu.memref_slice %arg10[%dma_start3A_31] : memref<2x!tpu.dma_semaphore, #tpu.memory_space<semaphore_mem>> -> memref<1x!tpu.dma_semaphore, #tpu.memory_space<semaphore_mem>>
    %dma_start3A_42 = tpu.memref_squeeze %dma_start3A_41 : memref<1x!tpu.dma_semaphore, #tpu.memory_space<semaphore_mem>> -> memref<!tpu.dma_semaphore, #tpu.memory_space<semaphore_mem>>
    tpu.enqueue_indirect_dma source(%dma_start3A_40 : memref<500000x128xf32, #tpu.memory_space<hbm>>) target(%dma_start3A_35 : memref<104x128xf32, #tpu.memory_space<vmem>>) offsets(%dma_start3A_37 : memref<104xi32, #tpu.memory_space<vmem>>) semaphore(%dma_start3A_42 : memref<!tpu.dma_semaphore, #tpu.memory_space<semaphore_mem>>)
    %dma_start3A_43 = arith.constant 1 : i32
    %dma_start3A_44 = arith.constant 1 : i32
    %dma_start3A_45 = arith.constant 104 : i32
    %dma_start3A_46 = arith.constant 0 : i32
    %dma_start3A_47 = tpu.memref_slice %arg7[%dma_start3A_43, %dma_start3A_45, %dma_start3A_46] : memref<2x200x128xf32, #tpu.memory_space<vmem>> -> memref<1x96x128xf32, #tpu.memory_space<vmem>>
    %dma_start3A_48 = tpu.memref_squeeze %dma_start3A_47 : memref<1x96x128xf32, #tpu.memory_space<vmem>> -> memref<96x128xf32, #tpu.memory_space<vmem>>
    %dma_start3A_49 = arith.constant 304 : i32
    %dma_start3A_50 = tpu.memref_slice %arg6[%dma_start3A_49] : memref<25600xi32, #tpu.memory_space<vmem>> -> memref<96xi32, #tpu.memory_space<vmem>>
    %dma_start3A_51 = arith.constant 0 : i32
    %dma_start3A_52 = arith.constant 0 : i32
    %dma_start3A_53 = tpu.memref_slice %arg3[%dma_start3A_51, %dma_start3A_52] : memref<500000x128xf32, #tpu.memory_space<hbm>> -> memref<500000x128xf32, #tpu.memory_space<hbm>>
    %dma_start3A_54 = tpu.memref_slice %arg10[%dma_start3A_44] : memref<2x!tpu.dma_semaphore, #tpu.memory_space<semaphore_mem>> -> memref<1x!tpu.dma_semaphore, #tpu.memory_space<semaphore_mem>>
    %dma_start3A_55 = tpu.memref_squeeze %dma_start3A_54 : memref<1x!tpu.dma_semaphore, #tpu.memory_space<semaphore_mem>> -> memref<!tpu.dma_semaphore, #tpu.memory_space<semaphore_mem>>
    tpu.enqueue_indirect_dma source(%dma_start3A_53 : memref<500000x128xf32, #tpu.memory_space<hbm>>) target(%dma_start3A_48 : memref<96x128xf32, #tpu.memory_space<vmem>>) offsets(%dma_start3A_50 : memref<96xi32, #tpu.memory_space<vmem>>) semaphore(%dma_start3A_55 : memref<!tpu.dma_semaphore, #tpu.memory_space<semaphore_mem>>)
    %scan3A = arith.constant 0 : i32
    %scan3A_56 = arith.constant 0 : i32
    %scan3A_57 = arith.constant 63 : i32
    %scan3A_58 = arith.addi %scan3A_56, %scan3A_57 : i32
    %scan3A_59 = arith.constant 1 : i32
    scf.for %scan3A_217 = %scan3A_56 to %scan3A_58 step %scan3A_59  : i32 {
      %mul3A_218 = arith.constant 2 : i32
      %mul3A_219 = arith.muli %scan3A_217, %mul3A_218 : i32
      %add3A_220 = arith.constant 0 : i32
      %add3A_221 = arith.addi %mul3A_219, %add3A_220 : i32
      %dma_wait3A_222 = arith.constant 0 : i32
      %dma_wait3A_223 = arith.constant 0 : i32
      %dma_wait3A_224 = arith.constant 0 : i32
      %dma_wait3A_225 = arith.constant 0 : i32
      %dma_wait3A_226 = tpu.memref_slice %arg7[%dma_wait3A_222, %dma_wait3A_224, %dma_wait3A_225] : memref<2x200x128xf32, #tpu.memory_space<vmem>> -> memref<1x200x128xf32, #tpu.memory_space<vmem>>
      %dma_wait3A_227 = tpu.memref_squeeze %dma_wait3A_226 : memref<1x200x128xf32, #tpu.memory_space<vmem>> -> memref<200x128xf32, #tpu.memory_space<vmem>>
      %dma_wait3A_228 = arith.constant 0 : i32
      %dma_wait3A_229 = arith.constant 0 : i32
      %dma_wait3A_230 = tpu.memref_slice %arg3[%dma_wait3A_228, %dma_wait3A_229] : memref<500000x128xf32, #tpu.memory_space<hbm>> -> memref<200x128xf32, #tpu.memory_space<hbm>>
      %dma_wait3A_231 = tpu.memref_slice %arg10[%dma_wait3A_223] : memref<2x!tpu.dma_semaphore, #tpu.memory_space<semaphore_mem>> -> memref<1x!tpu.dma_semaphore, #tpu.memory_space<semaphore_mem>>
      %dma_wait3A_232 = tpu.memref_squeeze %dma_wait3A_231 : memref<1x!tpu.dma_semaphore, #tpu.memory_space<semaphore_mem>> -> memref<!tpu.dma_semaphore, #tpu.memory_space<semaphore_mem>>
      %dma_wait3A_233 = arith.constant 0 : i32
      %dma_wait3A_234 = arith.constant 0 : i32
      %dma_wait3A_235 = tpu.memref_slice %arg7[%dma_wait3A_222, %dma_wait3A_233, %dma_wait3A_234] : memref<2x200x128xf32, #tpu.memory_space<vmem>> -> memref<1x200x128xf32, #tpu.memory_space<vmem>>
      %dma_wait3A_236 = tpu.memref_squeeze %dma_wait3A_235 : memref<1x200x128xf32, #tpu.memory_space<vmem>> -> memref<200x128xf32, #tpu.memory_space<vmem>>
      %dma_wait3A_237 = arith.constant 0 : i32
      %dma_wait3A_238 = arith.constant 0 : i32
      %dma_wait3A_239 = tpu.memref_slice %arg3[%dma_wait3A_237, %dma_wait3A_238] : memref<500000x128xf32, #tpu.memory_space<hbm>> -> memref<200x128xf32, #tpu.memory_space<hbm>>
      tpu.wait_dma2 semaphore(%dma_wait3A_232 : memref<!tpu.dma_semaphore, #tpu.memory_space<semaphore_mem>>) src(%dma_wait3A_239 : memref<200x128xf32, #tpu.memory_space<hbm>>) dst(%dma_wait3A_236 : memref<200x128xf32, #tpu.memory_space<vmem>>)
      %broadcast_in_dim3A_240 = arith.constant 0.000000e+00 : f32
      %broadcast_in_dim3A_241 = vector.broadcast %broadcast_in_dim3A_240 : f32 to vector<16xf32>
      %jit3A_242 = arith.constant 16 : i32
      %div3A = arith.divsi %add3A_221, %jit3A_242 : i32
      %sign3A = arith.constant 0 : i32
      %sign3A_243 = arith.cmpi sgt, %add3A_221, %sign3A : i32
      %sign3A_244 = arith.extui %sign3A_243 : i1 to i32
      %sign3A_245 = arith.constant 0 : i32
      %sign3A_246 = arith.cmpi slt, %add3A_221, %sign3A_245 : i32
      %sign3A_247 = arith.extui %sign3A_246 : i1 to i32
      %sign3A_248 = arith.subi %sign3A_244, %sign3A_247 : i32
      %sign3A_249 = arith.constant 0 : i32
      %sign3A_250 = arith.cmpi sgt, %jit3A_242, %sign3A_249 : i32
      %sign3A_251 = arith.extui %sign3A_250 : i1 to i32
      %sign3A_252 = arith.constant 0 : i32
      %sign3A_253 = arith.cmpi slt, %jit3A_242, %sign3A_252 : i32
      %sign3A_254 = arith.extui %sign3A_253 : i1 to i32
      %sign3A_255 = arith.subi %sign3A_251, %sign3A_254 : i32
      %ne3A = arith.cmpi ne, %sign3A_248, %sign3A_255 : i32
      %rem3A = arith.remsi %add3A_221, %jit3A_242 : i32
      %ne3A_256 = arith.constant 0 : i32
      %ne3A_257 = arith.cmpi ne, %rem3A, %ne3A_256 : i32
      %and3A = arith.andi %ne3A, %ne3A_257 : i1
      %sub3A = arith.constant 1 : i32
      %sub3A_258 = arith.subi %div3A, %sub3A : i32
      %select_n3A_259 = arith.select %and3A, %sub3A_258, %div3A : i32
      %mul3A_260 = arith.constant 16 : i32
      %mul3A_261 = arith.muli %select_n3A_259, %mul3A_260 : i32
      %get3A_262 = arith.index_cast %mul3A_261 : i32 to index
      %get3A_263 = tpu.vector_load %arg9[%get3A_262] {strides = array<i32>} : memref<128xi32, #tpu.memory_space<vmem>>, vector<16xi32>,
      %jit3A_264 = arith.constant 16 : i32
      %eq3A_265 = arith.constant 0 : i32
      %eq3A_266 = arith.cmpi eq, %jit3A_264, %eq3A_265 : i32
      %jit3A_267 = arith.constant 1 : i32
      %select_n3A_268 = arith.select %eq3A_266, %jit3A_267, %jit3A_264 : i32
      %rem3A_269 = arith.remsi %add3A_221, %select_n3A_268 : i32
      %ne3A_270 = arith.constant 0 : i32
      %ne3A_271 = arith.cmpi ne, %rem3A_269, %ne3A_270 : i32
      %lt3A = arith.constant 0 : i32
      %lt3A_272 = arith.cmpi slt, %rem3A_269, %lt3A : i32
      %lt3A_273 = arith.constant 0 : i32
      %lt3A_274 = arith.cmpi slt, %select_n3A_268, %lt3A_273 : i32
      %ne3A_275 = arith.xori %lt3A_272, %lt3A_274 : i1
      %and3A_276 = arith.andi %ne3A_275, %ne3A_271 : i1
      %add3A_277 = arith.addi %rem3A_269, %select_n3A_268 : i32
      %select_n3A_278 = arith.select %and3A_276, %add3A_277, %rem3A_269 : i32
      %iota3A_279 = tpu.iota {dimensions = array<i32: 0>} : vector<16xi32>
      %eq3A_280 = vector.broadcast %select_n3A_278 : i32 to vector<16xi32>
      %eq3A_281 = arith.cmpi eq, %iota3A_279, %eq3A_280 : vector<16xi32>
      %jit3A_282 = arith.constant 0 : i32
      %broadcast_in_dim3A_283 = vector.broadcast %jit3A_282 : i32 to vector<16xi32>
      %select_n3A_284 = arith.select %eq3A_281, %get3A_263, %broadcast_in_dim3A_283 : vector<16xi1>, vector<16xi32>
      %reduce_sum3A_285 = arith.constant true
      %reduce_sum3A_286 = vector.broadcast %reduce_sum3A_285 : i1 to vector<16xi1>
      %reduce_sum3A_287 = tpu.scan <sum>, %select_n3A_284 masked %reduce_sum3A_286 : vector<16xi32>, vector<16xi1> -> vector<16xi32>
      %reduce_sum3A_288 = vector.extract %reduce_sum3A_287[15] : i32 from vector<16xi32>
      %while3A_289 = arith.constant 0 : i32
      %while3A_290 = arith.subi %reduce_sum3A_288, %while3A_289 : i32
      %while3A_291 = arith.addi %while3A_289, %while3A_290 : i32
      %while3A_292 = arith.constant 1 : i32
      %while3A_293 = arith.divsi %while3A_290, %while3A_292 : i32
      %while3A_294 = arith.muli %while3A_293, %while3A_292 : i32
      %while3A_295 = arith.addi %while3A_289, %while3A_294 : i32
      %while3A_296 = arith.constant 1 : i32
      %while3A_297:4 = scf.for %while3A_527 = %while3A_289 to %while3A_295 step %while3A_296 iter_args(%while3A_528 = %broadcast_in_dim3A_241, %while3A_529 = %broadcast_in_dim3A_241, %while3A_530 = %broadcast_in_dim3A_241, %while3A_531 = %broadcast_in_dim3A_241) -> (vector<16xf32>, vector<16xf32>, vector<16xf32>, vector<16xf32>)  : i32 {
        %get3A_532 = arith.constant 0 : i32
        %get3A_533 = arith.index_cast %get3A_532 : i32 to index
        %get3A_534 = arith.index_cast %while3A_527 : i32 to index
        %get3A_535 = arith.constant 0 : index
        %get3A_536 = tpu.vector_load %arg7[%get3A_533, %get3A_534, %get3A_535] {strides = array<i32>} : memref<2x200x128xf32, #tpu.memory_space<vmem>>, vector<16xf32>,
        %add3A_537 = arith.addf %while3A_528, %get3A_536 : vector<16xf32>
        %get3A_538 = arith.constant 0 : i32
        %get3A_539 = arith.index_cast %get3A_538 : i32 to index
        %get3A_540 = arith.index_cast %while3A_527 : i32 to index
        %get3A_541 = arith.constant 16 : index
        %get3A_542 = tpu.vector_load %arg7[%get3A_539, %get3A_540, %get3A_541] {strides = array<i32>} : memref<2x200x128xf32, #tpu.memory_space<vmem>>, vector<16xf32>,
        %add3A_543 = arith.addf %while3A_529, %get3A_542 : vector<16xf32>
        %get3A_544 = arith.constant 0 : i32
        %get3A_545 = arith.index_cast %get3A_544 : i32 to index
        %get3A_546 = arith.index_cast %while3A_527 : i32 to index
        %get3A_547 = arith.constant 32 : index
        %get3A_548 = tpu.vector_load %arg7[%get3A_545, %get3A_546, %get3A_547] {strides = array<i32>} : memref<2x200x128xf32, #tpu.memory_space<vmem>>, vector<16xf32>,
        %add3A_549 = arith.addf %while3A_530, %get3A_548 : vector<16xf32>
        %get3A_550 = arith.constant 0 : i32
        %get3A_551 = arith.index_cast %get3A_550 : i32 to index
        %get3A_552 = arith.index_cast %while3A_527 : i32 to index
        %get3A_553 = arith.constant 48 : index
        %get3A_554 = tpu.vector_load %arg7[%get3A_551, %get3A_552, %get3A_553] {strides = array<i32>} : memref<2x200x128xf32, #tpu.memory_space<vmem>>, vector<16xf32>,
        %add3A_555 = arith.addf %while3A_531, %get3A_554 : vector<16xf32>
        scf.yield %add3A_537, %add3A_543, %add3A_549, %add3A_555 : vector<16xf32>, vector<16xf32>, vector<16xf32>, vector<16xf32>
      }
      %while3A_298 = arith.constant 1 : i32
      %while3A_299:4 = scf.for %while3A_527 = %while3A_295 to %while3A_291 step %while3A_298 iter_args(%while3A_528 = %while3A_297#0, %while3A_529 = %while3A_297#1, %while3A_530 = %while3A_297#2, %while3A_531 = %while3A_297#3) -> (vector<16xf32>, vector<16xf32>, vector<16xf32>, vector<16xf32>)  : i32 {
        %get3A_532 = arith.constant 0 : i32
        %get3A_533 = arith.index_cast %get3A_532 : i32 to index
        %get3A_534 = arith.index_cast %while3A_527 : i32 to index
        %get3A_535 = arith.constant 0 : index
        %get3A_536 = tpu.vector_load %arg7[%get3A_533, %get3A_534, %get3A_535] {strides = array<i32>} : memref<2x200x128xf32, #tpu.memory_space<vmem>>, vector<16xf32>,
        %add3A_537 = arith.addf %while3A_528, %get3A_536 : vector<16xf32>
        %get3A_538 = arith.constant 0 : i32
        %get3A_539 = arith.index_cast %get3A_538 : i32 to index
        %get3A_540 = arith.index_cast %while3A_527 : i32 to index
        %get3A_541 = arith.constant 16 : index
        %get3A_542 = tpu.vector_load %arg7[%get3A_539, %get3A_540, %get3A_541] {strides = array<i32>} : memref<2x200x128xf32, #tpu.memory_space<vmem>>, vector<16xf32>,
        %add3A_543 = arith.addf %while3A_529, %get3A_542 : vector<16xf32>
        %get3A_544 = arith.constant 0 : i32
        %get3A_545 = arith.index_cast %get3A_544 : i32 to index
        %get3A_546 = arith.index_cast %while3A_527 : i32 to index
        %get3A_547 = arith.constant 32 : index
        %get3A_548 = tpu.vector_load %arg7[%get3A_545, %get3A_546, %get3A_547] {strides = array<i32>} : memref<2x200x128xf32, #tpu.memory_space<vmem>>, vector<16xf32>,
        %add3A_549 = arith.addf %while3A_530, %get3A_548 : vector<16xf32>
        %get3A_550 = arith.constant 0 : i32
        %get3A_551 = arith.index_cast %get3A_550 : i32 to index
        %get3A_552 = arith.index_cast %while3A_527 : i32 to index
        %get3A_553 = arith.constant 48 : index
        %get3A_554 = tpu.vector_load %arg7[%get3A_551, %get3A_552, %get3A_553] {strides = array<i32>} : memref<2x200x128xf32, #tpu.memory_space<vmem>>, vector<16xf32>,
        %add3A_555 = arith.addf %while3A_531, %get3A_554 : vector<16xf32>
        scf.yield %add3A_537, %add3A_543, %add3A_549, %add3A_555 : vector<16xf32>, vector<16xf32>, vector<16xf32>, vector<16xf32>
      }
      %while3A_300 = arith.constant 200 : i32
      %while3A_301 = arith.subi %while3A_300, %reduce_sum3A_288 : i32
      %while3A_302 = arith.addi %reduce_sum3A_288, %while3A_301 : i32
      %while3A_303 = arith.constant 1 : i32
      %while3A_304 = arith.divsi %while3A_301, %while3A_303 : i32
      %while3A_305 = arith.muli %while3A_304, %while3A_303 : i32
      %while3A_306 = arith.addi %reduce_sum3A_288, %while3A_305 : i32
      %while3A_307 = arith.constant 1 : i32
      %while3A_308:4 = scf.for %while3A_527 = %reduce_sum3A_288 to %while3A_306 step %while3A_307 iter_args(%while3A_528 = %while3A_299#0, %while3A_529 = %while3A_299#1, %while3A_530 = %while3A_299#2, %while3A_531 = %while3A_299#3) -> (vector<16xf32>, vector<16xf32>, vector<16xf32>, vector<16xf32>)  : i32 {
        %get3A_532 = arith.constant 0 : i32
        %get3A_533 = arith.index_cast %get3A_532 : i32 to index
        %get3A_534 = arith.index_cast %while3A_527 : i32 to index
        %get3A_535 = arith.constant 64 : index
        %get3A_536 = tpu.vector_load %arg7[%get3A_533, %get3A_534, %get3A_535] {strides = array<i32>} : memref<2x200x128xf32, #tpu.memory_space<vmem>>, vector<16xf32>,
        %add3A_537 = arith.addf %while3A_528, %get3A_536 : vector<16xf32>
        %get3A_538 = arith.constant 0 : i32
        %get3A_539 = arith.index_cast %get3A_538 : i32 to index
        %get3A_540 = arith.index_cast %while3A_527 : i32 to index
        %get3A_541 = arith.constant 80 : index
        %get3A_542 = tpu.vector_load %arg7[%get3A_539, %get3A_540, %get3A_541] {strides = array<i32>} : memref<2x200x128xf32, #tpu.memory_space<vmem>>, vector<16xf32>,
        %add3A_543 = arith.addf %while3A_529, %get3A_542 : vector<16xf32>
        %get3A_544 = arith.constant 0 : i32
        %get3A_545 = arith.index_cast %get3A_544 : i32 to index
        %get3A_546 = arith.index_cast %while3A_527 : i32 to index
        %get3A_547 = arith.constant 96 : index
        %get3A_548 = tpu.vector_load %arg7[%get3A_545, %get3A_546, %get3A_547] {strides = array<i32>} : memref<2x200x128xf32, #tpu.memory_space<vmem>>, vector<16xf32>,
        %add3A_549 = arith.addf %while3A_530, %get3A_548 : vector<16xf32>
        %get3A_550 = arith.constant 0 : i32
        %get3A_551 = arith.index_cast %get3A_550 : i32 to index
        %get3A_552 = arith.index_cast %while3A_527 : i32 to index
        %get3A_553 = arith.constant 112 : index
        %get3A_554 = tpu.vector_load %arg7[%get3A_551, %get3A_552, %get3A_553] {strides = array<i32>} : memref<2x200x128xf32, #tpu.memory_space<vmem>>, vector<16xf32>,
        %add3A_555 = arith.addf %while3A_531, %get3A_554 : vector<16xf32>
        scf.yield %add3A_537, %add3A_543, %add3A_549, %add3A_555 : vector<16xf32>, vector<16xf32>, vector<16xf32>, vector<16xf32>
      }
      %while3A_309 = arith.constant 1 : i32
      %while3A_310:4 = scf.for %while3A_527 = %while3A_306 to %while3A_302 step %while3A_309 iter_args(%while3A_528 = %while3A_308#0, %while3A_529 = %while3A_308#1, %while3A_530 = %while3A_308#2, %while3A_531 = %while3A_308#3) -> (vector<16xf32>, vector<16xf32>, vector<16xf32>, vector<16xf32>)  : i32 {
        %get3A_532 = arith.constant 0 : i32
        %get3A_533 = arith.index_cast %get3A_532 : i32 to index
        %get3A_534 = arith.index_cast %while3A_527 : i32 to index
        %get3A_535 = arith.constant 64 : index
        %get3A_536 = tpu.vector_load %arg7[%get3A_533, %get3A_534, %get3A_535] {strides = array<i32>} : memref<2x200x128xf32, #tpu.memory_space<vmem>>, vector<16xf32>,
        %add3A_537 = arith.addf %while3A_528, %get3A_536 : vector<16xf32>
        %get3A_538 = arith.constant 0 : i32
        %get3A_539 = arith.index_cast %get3A_538 : i32 to index
        %get3A_540 = arith.index_cast %while3A_527 : i32 to index
        %get3A_541 = arith.constant 80 : index
        %get3A_542 = tpu.vector_load %arg7[%get3A_539, %get3A_540, %get3A_541] {strides = array<i32>} : memref<2x200x128xf32, #tpu.memory_space<vmem>>, vector<16xf32>,
        %add3A_543 = arith.addf %while3A_529, %get3A_542 : vector<16xf32>
        %get3A_544 = arith.constant 0 : i32
        %get3A_545 = arith.index_cast %get3A_544 : i32 to index
        %get3A_546 = arith.index_cast %while3A_527 : i32 to index
        %get3A_547 = arith.constant 96 : index
        %get3A_548 = tpu.vector_load %arg7[%get3A_545, %get3A_546, %get3A_547] {strides = array<i32>} : memref<2x200x128xf32, #tpu.memory_space<vmem>>, vector<16xf32>,
        %add3A_549 = arith.addf %while3A_530, %get3A_548 : vector<16xf32>
        %get3A_550 = arith.constant 0 : i32
        %get3A_551 = arith.index_cast %get3A_550 : i32 to index
        %get3A_552 = arith.index_cast %while3A_527 : i32 to index
        %get3A_553 = arith.constant 112 : index
        %get3A_554 = tpu.vector_load %arg7[%get3A_551, %get3A_552, %get3A_553] {strides = array<i32>} : memref<2x200x128xf32, #tpu.memory_space<vmem>>, vector<16xf32>,
        %add3A_555 = arith.addf %while3A_531, %get3A_554 : vector<16xf32>
        scf.yield %add3A_537, %add3A_543, %add3A_549, %add3A_555 : vector<16xf32>, vector<16xf32>, vector<16xf32>, vector<16xf32>
      }
      %mul3A_311 = arith.constant 5.000000e-03 : f32
      %mul3A_312 = vector.broadcast %mul3A_311 : f32 to vector<16xf32>
      %mul3A_313 = arith.mulf %while3A_310#0, %mul3A_312 : vector<16xf32>
      %swap3A_314 = arith.index_cast %add3A_221 : i32 to index
      %swap3A_315 = arith.constant 0 : index
      %swap3A_316 = tpu.vector_load %arg8[%swap3A_314, %swap3A_315] {strides = array<i32>} : memref<128x64xf32, #tpu.memory_space<vmem>>, vector<16xf32>,
      tpu.vector_store %arg8[%swap3A_314, %swap3A_315], %mul3A_313 {strides = array<i32>} : memref<128x64xf32, #tpu.memory_space<vmem>>, vector<16xf32>,
      %mul3A_317 = arith.constant 5.000000e-03 : f32
      %mul3A_318 = vector.broadcast %mul3A_317 : f32 to vector<16xf32>
      %mul3A_319 = arith.mulf %while3A_310#1, %mul3A_318 : vector<16xf32>
      %swap3A_320 = arith.index_cast %add3A_221 : i32 to index
      %swap3A_321 = arith.constant 16 : index
      %swap3A_322 = tpu.vector_load %arg8[%swap3A_320, %swap3A_321] {strides = array<i32>} : memref<128x64xf32, #tpu.memory_space<vmem>>, vector<16xf32>,
      tpu.vector_store %arg8[%swap3A_320, %swap3A_321], %mul3A_319 {strides = array<i32>} : memref<128x64xf32, #tpu.memory_space<vmem>>, vector<16xf32>,
      %mul3A_323 = arith.constant 5.000000e-03 : f32
      %mul3A_324 = vector.broadcast %mul3A_323 : f32 to vector<16xf32>
      %mul3A_325 = arith.mulf %while3A_310#2, %mul3A_324 : vector<16xf32>
      %swap3A_326 = arith.index_cast %add3A_221 : i32 to index
      %swap3A_327 = arith.constant 32 : index
      %swap3A_328 = tpu.vector_load %arg8[%swap3A_326, %swap3A_327] {strides = array<i32>} : memref<128x64xf32, #tpu.memory_space<vmem>>, vector<16xf32>,
      tpu.vector_store %arg8[%swap3A_326, %swap3A_327], %mul3A_325 {strides = array<i32>} : memref<128x64xf32, #tpu.memory_space<vmem>>, vector<16xf32>,
      %mul3A_329 = arith.constant 5.000000e-03 : f32
      %mul3A_330 = vector.broadcast %mul3A_329 : f32 to vector<16xf32>
      %mul3A_331 = arith.mulf %while3A_310#3, %mul3A_330 : vector<16xf32>
      %swap3A_332 = arith.index_cast %add3A_221 : i32 to index
      %swap3A_333 = arith.constant 48 : index
      %swap3A_334 = tpu.vector_load %arg8[%swap3A_332, %swap3A_333] {strides = array<i32>} : memref<128x64xf32, #tpu.memory_space<vmem>>, vector<16xf32>,
      tpu.vector_store %arg8[%swap3A_332, %swap3A_333], %mul3A_331 {strides = array<i32>} : memref<128x64xf32, #tpu.memory_space<vmem>>, vector<16xf32>,
      %add3A_335 = arith.constant 2 : i32
      %add3A_336 = arith.addi %add3A_221, %add3A_335 : i32
      %mul3A_337 = arith.constant 200 : i32
      %mul3A_338 = arith.muli %add3A_336, %mul3A_337 : i32
      %add3A_339 = arith.constant 0 : i32
      %add3A_340 = arith.addi %mul3A_338, %add3A_339 : i32
      %dma_start3A_341 = arith.constant 0 : i32
      %dma_start3A_342 = arith.constant 0 : i32
      %dma_start3A_343 = arith.constant 0 : i32
      %dma_start3A_344 = arith.constant 0 : i32
      %dma_start3A_345 = tpu.memref_slice %arg7[%dma_start3A_341, %dma_start3A_343, %dma_start3A_344] : memref<2x200x128xf32, #tpu.memory_space<vmem>> -> memref<1x104x128xf32, #tpu.memory_space<vmem>>
      %dma_start3A_346 = tpu.memref_squeeze %dma_start3A_345 : memref<1x104x128xf32, #tpu.memory_space<vmem>> -> memref<104x128xf32, #tpu.memory_space<vmem>>
      %dma_start3A_347 = tpu.memref_slice %arg6[%add3A_340] : memref<25600xi32, #tpu.memory_space<vmem>> -> memref<104xi32, #tpu.memory_space<vmem>>
      %dma_start3A_348 = arith.constant 0 : i32
      %dma_start3A_349 = arith.constant 0 : i32
      %dma_start3A_350 = tpu.memref_slice %arg3[%dma_start3A_348, %dma_start3A_349] : memref<500000x128xf32, #tpu.memory_space<hbm>> -> memref<500000x128xf32, #tpu.memory_space<hbm>>
      %dma_start3A_351 = tpu.memref_slice %arg10[%dma_start3A_342] : memref<2x!tpu.dma_semaphore, #tpu.memory_space<semaphore_mem>> -> memref<1x!tpu.dma_semaphore, #tpu.memory_space<semaphore_mem>>
      %dma_start3A_352 = tpu.memref_squeeze %dma_start3A_351 : memref<1x!tpu.dma_semaphore, #tpu.memory_space<semaphore_mem>> -> memref<!tpu.dma_semaphore, #tpu.memory_space<semaphore_mem>>
      tpu.enqueue_indirect_dma source(%dma_start3A_350 : memref<500000x128xf32, #tpu.memory_space<hbm>>) target(%dma_start3A_346 : memref<104x128xf32, #tpu.memory_space<vmem>>) offsets(%dma_start3A_347 : memref<104xi32, #tpu.memory_space<vmem>>) semaphore(%dma_start3A_352 : memref<!tpu.dma_semaphore, #tpu.memory_space<semaphore_mem>>)
      %mul3A_353 = arith.constant 200 : i32
      %mul3A_354 = arith.muli %add3A_336, %mul3A_353 : i32
      %add3A_355 = arith.constant 104 : i32
      %add3A_356 = arith.addi %mul3A_354, %add3A_355 : i32
      %dma_start3A_357 = arith.constant 0 : i32
      %dma_start3A_358 = arith.constant 0 : i32
      %dma_start3A_359 = arith.constant 104 : i32
      %dma_start3A_360 = arith.constant 0 : i32
      %dma_start3A_361 = tpu.memref_slice %arg7[%dma_start3A_357, %dma_start3A_359, %dma_start3A_360] : memref<2x200x128xf32, #tpu.memory_space<vmem>> -> memref<1x96x128xf32, #tpu.memory_space<vmem>>
      %dma_start3A_362 = tpu.memref_squeeze %dma_start3A_361 : memref<1x96x128xf32, #tpu.memory_space<vmem>> -> memref<96x128xf32, #tpu.memory_space<vmem>>
      %dma_start3A_363 = tpu.memref_slice %arg6[%add3A_356] : memref<25600xi32, #tpu.memory_space<vmem>> -> memref<96xi32, #tpu.memory_space<vmem>>
      %dma_start3A_364 = arith.constant 0 : i32
      %dma_start3A_365 = arith.constant 0 : i32
      %dma_start3A_366 = tpu.memref_slice %arg3[%dma_start3A_364, %dma_start3A_365] : memref<500000x128xf32, #tpu.memory_space<hbm>> -> memref<500000x128xf32, #tpu.memory_space<hbm>>
      %dma_start3A_367 = tpu.memref_slice %arg10[%dma_start3A_358] : memref<2x!tpu.dma_semaphore, #tpu.memory_space<semaphore_mem>> -> memref<1x!tpu.dma_semaphore, #tpu.memory_space<semaphore_mem>>
      %dma_start3A_368 = tpu.memref_squeeze %dma_start3A_367 : memref<1x!tpu.dma_semaphore, #tpu.memory_space<semaphore_mem>> -> memref<!tpu.dma_semaphore, #tpu.memory_space<semaphore_mem>>
      tpu.enqueue_indirect_dma source(%dma_start3A_366 : memref<500000x128xf32, #tpu.memory_space<hbm>>) target(%dma_start3A_362 : memref<96x128xf32, #tpu.memory_space<vmem>>) offsets(%dma_start3A_363 : memref<96xi32, #tpu.memory_space<vmem>>) semaphore(%dma_start3A_368 : memref<!tpu.dma_semaphore, #tpu.memory_space<semaphore_mem>>)
      %mul3A_369 = arith.constant 2 : i32
      %mul3A_370 = arith.muli %scan3A_217, %mul3A_369 : i32
      %add3A_371 = arith.constant 1 : i32
      %add3A_372 = arith.addi %mul3A_370, %add3A_371 : i32
      %dma_wait3A_373 = arith.constant 1 : i32
      %dma_wait3A_374 = arith.constant 1 : i32
      %dma_wait3A_375 = arith.constant 0 : i32
      %dma_wait3A_376 = arith.constant 0 : i32
      %dma_wait3A_377 = tpu.memref_slice %arg7[%dma_wait3A_373, %dma_wait3A_375, %dma_wait3A_376] : memref<2x200x128xf32, #tpu.memory_space<vmem>> -> memref<1x200x128xf32, #tpu.memory_space<vmem>>
      %dma_wait3A_378 = tpu.memref_squeeze %dma_wait3A_377 : memref<1x200x128xf32, #tpu.memory_space<vmem>> -> memref<200x128xf32, #tpu.memory_space<vmem>>
      %dma_wait3A_379 = arith.constant 0 : i32
      %dma_wait3A_380 = arith.constant 0 : i32
      %dma_wait3A_381 = tpu.memref_slice %arg3[%dma_wait3A_379, %dma_wait3A_380] : memref<500000x128xf32, #tpu.memory_space<hbm>> -> memref<200x128xf32, #tpu.memory_space<hbm>>
      %dma_wait3A_382 = tpu.memref_slice %arg10[%dma_wait3A_374] : memref<2x!tpu.dma_semaphore, #tpu.memory_space<semaphore_mem>> -> memref<1x!tpu.dma_semaphore, #tpu.memory_space<semaphore_mem>>
      %dma_wait3A_383 = tpu.memref_squeeze %dma_wait3A_382 : memref<1x!tpu.dma_semaphore, #tpu.memory_space<semaphore_mem>> -> memref<!tpu.dma_semaphore, #tpu.memory_space<semaphore_mem>>
      %dma_wait3A_384 = arith.constant 0 : i32
      %dma_wait3A_385 = arith.constant 0 : i32
      %dma_wait3A_386 = tpu.memref_slice %arg7[%dma_wait3A_373, %dma_wait3A_384, %dma_wait3A_385] : memref<2x200x128xf32, #tpu.memory_space<vmem>> -> memref<1x200x128xf32, #tpu.memory_space<vmem>>
      %dma_wait3A_387 = tpu.memref_squeeze %dma_wait3A_386 : memref<1x200x128xf32, #tpu.memory_space<vmem>> -> memref<200x128xf32, #tpu.memory_space<vmem>>
      %dma_wait3A_388 = arith.constant 0 : i32
      %dma_wait3A_389 = arith.constant 0 : i32
      %dma_wait3A_390 = tpu.memref_slice %arg3[%dma_wait3A_388, %dma_wait3A_389] : memref<500000x128xf32, #tpu.memory_space<hbm>> -> memref<200x128xf32, #tpu.memory_space<hbm>>
      tpu.wait_dma2 semaphore(%dma_wait3A_383 : memref<!tpu.dma_semaphore, #tpu.memory_space<semaphore_mem>>) src(%dma_wait3A_390 : memref<200x128xf32, #tpu.memory_space<hbm>>) dst(%dma_wait3A_387 : memref<200x128xf32, #tpu.memory_space<vmem>>)
      %broadcast_in_dim3A_391 = arith.constant 0.000000e+00 : f32
      %broadcast_in_dim3A_392 = vector.broadcast %broadcast_in_dim3A_391 : f32 to vector<16xf32>
      %jit3A_393 = arith.constant 16 : i32
      %div3A_394 = arith.divsi %add3A_372, %jit3A_393 : i32
      %sign3A_395 = arith.constant 0 : i32
      %sign3A_396 = arith.cmpi sgt, %add3A_372, %sign3A_395 : i32
      %sign3A_397 = arith.extui %sign3A_396 : i1 to i32
      %sign3A_398 = arith.constant 0 : i32
      %sign3A_399 = arith.cmpi slt, %add3A_372, %sign3A_398 : i32
      %sign3A_400 = arith.extui %sign3A_399 : i1 to i32
      %sign3A_401 = arith.subi %sign3A_397, %sign3A_400 : i32
      %sign3A_402 = arith.constant 0 : i32
      %sign3A_403 = arith.cmpi sgt, %jit3A_393, %sign3A_402 : i32
      %sign3A_404 = arith.extui %sign3A_403 : i1 to i32
      %sign3A_405 = arith.constant 0 : i32
      %sign3A_406 = arith.cmpi slt, %jit3A_393, %sign3A_405 : i32
      %sign3A_407 = arith.extui %sign3A_406 : i1 to i32
      %sign3A_408 = arith.subi %sign3A_404, %sign3A_407 : i32
      %ne3A_409 = arith.cmpi ne, %sign3A_401, %sign3A_408 : i32
      %rem3A_410 = arith.remsi %add3A_372, %jit3A_393 : i32
      %ne3A_411 = arith.constant 0 : i32
      %ne3A_412 = arith.cmpi ne, %rem3A_410, %ne3A_411 : i32
      %and3A_413 = arith.andi %ne3A_409, %ne3A_412 : i1
      %sub3A_414 = arith.constant 1 : i32
      %sub3A_415 = arith.subi %div3A_394, %sub3A_414 : i32
      %select_n3A_416 = arith.select %and3A_413, %sub3A_415, %div3A_394 : i32
      %mul3A_417 = arith.constant 16 : i32
      %mul3A_418 = arith.muli %select_n3A_416, %mul3A_417 : i32
      %get3A_419 = arith.index_cast %mul3A_418 : i32 to index
      %get3A_420 = tpu.vector_load %arg9[%get3A_419] {strides = array<i32>} : memref<128xi32, #tpu.memory_space<vmem>>, vector<16xi32>,
      %jit3A_421 = arith.constant 16 : i32
      %eq3A_422 = arith.constant 0 : i32
      %eq3A_423 = arith.cmpi eq, %jit3A_421, %eq3A_422 : i32
      %jit3A_424 = arith.constant 1 : i32
      %select_n3A_425 = arith.select %eq3A_423, %jit3A_424, %jit3A_421 : i32
      %rem3A_426 = arith.remsi %add3A_372, %select_n3A_425 : i32
      %ne3A_427 = arith.constant 0 : i32
      %ne3A_428 = arith.cmpi ne, %rem3A_426, %ne3A_427 : i32
      %lt3A_429 = arith.constant 0 : i32
      %lt3A_430 = arith.cmpi slt, %rem3A_426, %lt3A_429 : i32
      %lt3A_431 = arith.constant 0 : i32
      %lt3A_432 = arith.cmpi slt, %select_n3A_425, %lt3A_431 : i32
      %ne3A_433 = arith.xori %lt3A_430, %lt3A_432 : i1
      %and3A_434 = arith.andi %ne3A_433, %ne3A_428 : i1
      %add3A_435 = arith.addi %rem3A_426, %select_n3A_425 : i32
      %select_n3A_436 = arith.select %and3A_434, %add3A_435, %rem3A_426 : i32
      %iota3A_437 = tpu.iota {dimensions = array<i32: 0>} : vector<16xi32>
      %eq3A_438 = vector.broadcast %select_n3A_436 : i32 to vector<16xi32>
      %eq3A_439 = arith.cmpi eq, %iota3A_437, %eq3A_438 : vector<16xi32>
      %jit3A_440 = arith.constant 0 : i32
      %broadcast_in_dim3A_441 = vector.broadcast %jit3A_440 : i32 to vector<16xi32>
      %select_n3A_442 = arith.select %eq3A_439, %get3A_420, %broadcast_in_dim3A_441 : vector<16xi1>, vector<16xi32>
      %reduce_sum3A_443 = arith.constant true
      %reduce_sum3A_444 = vector.broadcast %reduce_sum3A_443 : i1 to vector<16xi1>
      %reduce_sum3A_445 = tpu.scan <sum>, %select_n3A_442 masked %reduce_sum3A_444 : vector<16xi32>, vector<16xi1> -> vector<16xi32>
      %reduce_sum3A_446 = vector.extract %reduce_sum3A_445[15] : i32 from vector<16xi32>
      %while3A_447 = arith.constant 0 : i32
      %while3A_448 = arith.subi %reduce_sum3A_446, %while3A_447 : i32
      %while3A_449 = arith.addi %while3A_447, %while3A_448 : i32
      %while3A_450 = arith.constant 1 : i32
      %while3A_451 = arith.divsi %while3A_448, %while3A_450 : i32
      %while3A_452 = arith.muli %while3A_451, %while3A_450 : i32
      %while3A_453 = arith.addi %while3A_447, %while3A_452 : i32
      %while3A_454 = arith.constant 1 : i32
      %while3A_455:4 = scf.for %while3A_527 = %while3A_447 to %while3A_453 step %while3A_454 iter_args(%while3A_528 = %broadcast_in_dim3A_392, %while3A_529 = %broadcast_in_dim3A_392, %while3A_530 = %broadcast_in_dim3A_392, %while3A_531 = %broadcast_in_dim3A_392) -> (vector<16xf32>, vector<16xf32>, vector<16xf32>, vector<16xf32>)  : i32 {
        %get3A_532 = arith.constant 1 : i32
        %get3A_533 = arith.index_cast %get3A_532 : i32 to index
        %get3A_534 = arith.index_cast %while3A_527 : i32 to index
        %get3A_535 = arith.constant 0 : index
        %get3A_536 = tpu.vector_load %arg7[%get3A_533, %get3A_534, %get3A_535] {strides = array<i32>} : memref<2x200x128xf32, #tpu.memory_space<vmem>>, vector<16xf32>,
        %add3A_537 = arith.addf %while3A_528, %get3A_536 : vector<16xf32>
        %get3A_538 = arith.constant 1 : i32
        %get3A_539 = arith.index_cast %get3A_538 : i32 to index
        %get3A_540 = arith.index_cast %while3A_527 : i32 to index
        %get3A_541 = arith.constant 16 : index
        %get3A_542 = tpu.vector_load %arg7[%get3A_539, %get3A_540, %get3A_541] {strides = array<i32>} : memref<2x200x128xf32, #tpu.memory_space<vmem>>, vector<16xf32>,
        %add3A_543 = arith.addf %while3A_529, %get3A_542 : vector<16xf32>
        %get3A_544 = arith.constant 1 : i32
        %get3A_545 = arith.index_cast %get3A_544 : i32 to index
        %get3A_546 = arith.index_cast %while3A_527 : i32 to index
        %get3A_547 = arith.constant 32 : index
        %get3A_548 = tpu.vector_load %arg7[%get3A_545, %get3A_546, %get3A_547] {strides = array<i32>} : memref<2x200x128xf32, #tpu.memory_space<vmem>>, vector<16xf32>,
        %add3A_549 = arith.addf %while3A_530, %get3A_548 : vector<16xf32>
        %get3A_550 = arith.constant 1 : i32
        %get3A_551 = arith.index_cast %get3A_550 : i32 to index
        %get3A_552 = arith.index_cast %while3A_527 : i32 to index
        %get3A_553 = arith.constant 48 : index
        %get3A_554 = tpu.vector_load %arg7[%get3A_551, %get3A_552, %get3A_553] {strides = array<i32>} : memref<2x200x128xf32, #tpu.memory_space<vmem>>, vector<16xf32>,
        %add3A_555 = arith.addf %while3A_531, %get3A_554 : vector<16xf32>
        scf.yield %add3A_537, %add3A_543, %add3A_549, %add3A_555 : vector<16xf32>, vector<16xf32>, vector<16xf32>, vector<16xf32>
      }
      %while3A_456 = arith.constant 1 : i32
      %while3A_457:4 = scf.for %while3A_527 = %while3A_453 to %while3A_449 step %while3A_456 iter_args(%while3A_528 = %while3A_455#0, %while3A_529 = %while3A_455#1, %while3A_530 = %while3A_455#2, %while3A_531 = %while3A_455#3) -> (vector<16xf32>, vector<16xf32>, vector<16xf32>, vector<16xf32>)  : i32 {
        %get3A_532 = arith.constant 1 : i32
        %get3A_533 = arith.index_cast %get3A_532 : i32 to index
        %get3A_534 = arith.index_cast %while3A_527 : i32 to index
        %get3A_535 = arith.constant 0 : index
        %get3A_536 = tpu.vector_load %arg7[%get3A_533, %get3A_534, %get3A_535] {strides = array<i32>} : memref<2x200x128xf32, #tpu.memory_space<vmem>>, vector<16xf32>,
        %add3A_537 = arith.addf %while3A_528, %get3A_536 : vector<16xf32>
        %get3A_538 = arith.constant 1 : i32
        %get3A_539 = arith.index_cast %get3A_538 : i32 to index
        %get3A_540 = arith.index_cast %while3A_527 : i32 to index
        %get3A_541 = arith.constant 16 : index
        %get3A_542 = tpu.vector_load %arg7[%get3A_539, %get3A_540, %get3A_541] {strides = array<i32>} : memref<2x200x128xf32, #tpu.memory_space<vmem>>, vector<16xf32>,
        %add3A_543 = arith.addf %while3A_529, %get3A_542 : vector<16xf32>
        %get3A_544 = arith.constant 1 : i32
        %get3A_545 = arith.index_cast %get3A_544 : i32 to index
        %get3A_546 = arith.index_cast %while3A_527 : i32 to index
        %get3A_547 = arith.constant 32 : index
        %get3A_548 = tpu.vector_load %arg7[%get3A_545, %get3A_546, %get3A_547] {strides = array<i32>} : memref<2x200x128xf32, #tpu.memory_space<vmem>>, vector<16xf32>,
        %add3A_549 = arith.addf %while3A_530, %get3A_548 : vector<16xf32>
        %get3A_550 = arith.constant 1 : i32
        %get3A_551 = arith.index_cast %get3A_550 : i32 to index
        %get3A_552 = arith.index_cast %while3A_527 : i32 to index
        %get3A_553 = arith.constant 48 : index
        %get3A_554 = tpu.vector_load %arg7[%get3A_551, %get3A_552, %get3A_553] {strides = array<i32>} : memref<2x200x128xf32, #tpu.memory_space<vmem>>, vector<16xf32>,
        %add3A_555 = arith.addf %while3A_531, %get3A_554 : vector<16xf32>
        scf.yield %add3A_537, %add3A_543, %add3A_549, %add3A_555 : vector<16xf32>, vector<16xf32>, vector<16xf32>, vector<16xf32>
      }
      %while3A_458 = arith.constant 200 : i32
      %while3A_459 = arith.subi %while3A_458, %reduce_sum3A_446 : i32
      %while3A_460 = arith.addi %reduce_sum3A_446, %while3A_459 : i32
      %while3A_461 = arith.constant 1 : i32
      %while3A_462 = arith.divsi %while3A_459, %while3A_461 : i32
      %while3A_463 = arith.muli %while3A_462, %while3A_461 : i32
      %while3A_464 = arith.addi %reduce_sum3A_446, %while3A_463 : i32
      %while3A_465 = arith.constant 1 : i32
      %while3A_466:4 = scf.for %while3A_527 = %reduce_sum3A_446 to %while3A_464 step %while3A_465 iter_args(%while3A_528 = %while3A_457#0, %while3A_529 = %while3A_457#1, %while3A_530 = %while3A_457#2, %while3A_531 = %while3A_457#3) -> (vector<16xf32>, vector<16xf32>, vector<16xf32>, vector<16xf32>)  : i32 {
        %get3A_532 = arith.constant 1 : i32
        %get3A_533 = arith.index_cast %get3A_532 : i32 to index
        %get3A_534 = arith.index_cast %while3A_527 : i32 to index
        %get3A_535 = arith.constant 64 : index
        %get3A_536 = tpu.vector_load %arg7[%get3A_533, %get3A_534, %get3A_535] {strides = array<i32>} : memref<2x200x128xf32, #tpu.memory_space<vmem>>, vector<16xf32>,
        %add3A_537 = arith.addf %while3A_528, %get3A_536 : vector<16xf32>
        %get3A_538 = arith.constant 1 : i32
        %get3A_539 = arith.index_cast %get3A_538 : i32 to index
        %get3A_540 = arith.index_cast %while3A_527 : i32 to index
        %get3A_541 = arith.constant 80 : index
        %get3A_542 = tpu.vector_load %arg7[%get3A_539, %get3A_540, %get3A_541] {strides = array<i32>} : memref<2x200x128xf32, #tpu.memory_space<vmem>>, vector<16xf32>,
        %add3A_543 = arith.addf %while3A_529, %get3A_542 : vector<16xf32>
        %get3A_544 = arith.constant 1 : i32
        %get3A_545 = arith.index_cast %get3A_544 : i32 to index
        %get3A_546 = arith.index_cast %while3A_527 : i32 to index
        %get3A_547 = arith.constant 96 : index
        %get3A_548 = tpu.vector_load %arg7[%get3A_545, %get3A_546, %get3A_547] {strides = array<i32>} : memref<2x200x128xf32, #tpu.memory_space<vmem>>, vector<16xf32>,
        %add3A_549 = arith.addf %while3A_530, %get3A_548 : vector<16xf32>
        %get3A_550 = arith.constant 1 : i32
        %get3A_551 = arith.index_cast %get3A_550 : i32 to index
        %get3A_552 = arith.index_cast %while3A_527 : i32 to index
        %get3A_553 = arith.constant 112 : index
        %get3A_554 = tpu.vector_load %arg7[%get3A_551, %get3A_552, %get3A_553] {strides = array<i32>} : memref<2x200x128xf32, #tpu.memory_space<vmem>>, vector<16xf32>,
        %add3A_555 = arith.addf %while3A_531, %get3A_554 : vector<16xf32>
        scf.yield %add3A_537, %add3A_543, %add3A_549, %add3A_555 : vector<16xf32>, vector<16xf32>, vector<16xf32>, vector<16xf32>
      }
      %while3A_467 = arith.constant 1 : i32
      %while3A_468:4 = scf.for %while3A_527 = %while3A_464 to %while3A_460 step %while3A_467 iter_args(%while3A_528 = %while3A_466#0, %while3A_529 = %while3A_466#1, %while3A_530 = %while3A_466#2, %while3A_531 = %while3A_466#3) -> (vector<16xf32>, vector<16xf32>, vector<16xf32>, vector<16xf32>)  : i32 {
        %get3A_532 = arith.constant 1 : i32
        %get3A_533 = arith.index_cast %get3A_532 : i32 to index
        %get3A_534 = arith.index_cast %while3A_527 : i32 to index
        %get3A_535 = arith.constant 64 : index
        %get3A_536 = tpu.vector_load %arg7[%get3A_533, %get3A_534, %get3A_535] {strides = array<i32>} : memref<2x200x128xf32, #tpu.memory_space<vmem>>, vector<16xf32>,
        %add3A_537 = arith.addf %while3A_528, %get3A_536 : vector<16xf32>
        %get3A_538 = arith.constant 1 : i32
        %get3A_539 = arith.index_cast %get3A_538 : i32 to index
        %get3A_540 = arith.index_cast %while3A_527 : i32 to index
        %get3A_541 = arith.constant 80 : index
        %get3A_542 = tpu.vector_load %arg7[%get3A_539, %get3A_540, %get3A_541] {strides = array<i32>} : memref<2x200x128xf32, #tpu.memory_space<vmem>>, vector<16xf32>,
        %add3A_543 = arith.addf %while3A_529, %get3A_542 : vector<16xf32>
        %get3A_544 = arith.constant 1 : i32
        %get3A_545 = arith.index_cast %get3A_544 : i32 to index
        %get3A_546 = arith.index_cast %while3A_527 : i32 to index
        %get3A_547 = arith.constant 96 : index
        %get3A_548 = tpu.vector_load %arg7[%get3A_545, %get3A_546, %get3A_547] {strides = array<i32>} : memref<2x200x128xf32, #tpu.memory_space<vmem>>, vector<16xf32>,
        %add3A_549 = arith.addf %while3A_530, %get3A_548 : vector<16xf32>
        %get3A_550 = arith.constant 1 : i32
        %get3A_551 = arith.index_cast %get3A_550 : i32 to index
        %get3A_552 = arith.index_cast %while3A_527 : i32 to index
        %get3A_553 = arith.constant 112 : index
        %get3A_554 = tpu.vector_load %arg7[%get3A_551, %get3A_552, %get3A_553] {strides = array<i32>} : memref<2x200x128xf32, #tpu.memory_space<vmem>>, vector<16xf32>,
        %add3A_555 = arith.addf %while3A_531, %get3A_554 : vector<16xf32>
        scf.yield %add3A_537, %add3A_543, %add3A_549, %add3A_555 : vector<16xf32>, vector<16xf32>, vector<16xf32>, vector<16xf32>
      }
      %mul3A_469 = arith.constant 5.000000e-03 : f32
      %mul3A_470 = vector.broadcast %mul3A_469 : f32 to vector<16xf32>
      %mul3A_471 = arith.mulf %while3A_468#0, %mul3A_470 : vector<16xf32>
      %swap3A_472 = arith.index_cast %add3A_372 : i32 to index
      %swap3A_473 = arith.constant 0 : index
      %swap3A_474 = tpu.vector_load %arg8[%swap3A_472, %swap3A_473] {strides = array<i32>} : memref<128x64xf32, #tpu.memory_space<vmem>>, vector<16xf32>,
      tpu.vector_store %arg8[%swap3A_472, %swap3A_473], %mul3A_471 {strides = array<i32>} : memref<128x64xf32, #tpu.memory_space<vmem>>, vector<16xf32>,
      %mul3A_475 = arith.constant 5.000000e-03 : f32
      %mul3A_476 = vector.broadcast %mul3A_475 : f32 to vector<16xf32>
      %mul3A_477 = arith.mulf %while3A_468#1, %mul3A_476 : vector<16xf32>
      %swap3A_478 = arith.index_cast %add3A_372 : i32 to index
      %swap3A_479 = arith.constant 16 : index
      %swap3A_480 = tpu.vector_load %arg8[%swap3A_478, %swap3A_479] {strides = array<i32>} : memref<128x64xf32, #tpu.memory_space<vmem>>, vector<16xf32>,
      tpu.vector_store %arg8[%swap3A_478, %swap3A_479], %mul3A_477 {strides = array<i32>} : memref<128x64xf32, #tpu.memory_space<vmem>>, vector<16xf32>,
      %mul3A_481 = arith.constant 5.000000e-03 : f32
      %mul3A_482 = vector.broadcast %mul3A_481 : f32 to vector<16xf32>
      %mul3A_483 = arith.mulf %while3A_468#2, %mul3A_482 : vector<16xf32>
      %swap3A_484 = arith.index_cast %add3A_372 : i32 to index
      %swap3A_485 = arith.constant 32 : index
      %swap3A_486 = tpu.vector_load %arg8[%swap3A_484, %swap3A_485] {strides = array<i32>} : memref<128x64xf32, #tpu.memory_space<vmem>>, vector<16xf32>,
      tpu.vector_store %arg8[%swap3A_484, %swap3A_485], %mul3A_483 {strides = array<i32>} : memref<128x64xf32, #tpu.memory_space<vmem>>, vector<16xf32>,
      %mul3A_487 = arith.constant 5.000000e-03 : f32
      %mul3A_488 = vector.broadcast %mul3A_487 : f32 to vector<16xf32>
      %mul3A_489 = arith.mulf %while3A_468#3, %mul3A_488 : vector<16xf32>
      %swap3A_490 = arith.index_cast %add3A_372 : i32 to index
      %swap3A_491 = arith.constant 48 : index
      %swap3A_492 = tpu.vector_load %arg8[%swap3A_490, %swap3A_491] {strides = array<i32>} : memref<128x64xf32, #tpu.memory_space<vmem>>, vector<16xf32>,
      tpu.vector_store %arg8[%swap3A_490, %swap3A_491], %mul3A_489 {strides = array<i32>} : memref<128x64xf32, #tpu.memory_space<vmem>>, vector<16xf32>,
      %add3A_493 = arith.constant 2 : i32
      %add3A_494 = arith.addi %add3A_372, %add3A_493 : i32
      %mul3A_495 = arith.constant 200 : i32
      %mul3A_496 = arith.muli %add3A_494, %mul3A_495 : i32
      %add3A_497 = arith.constant 0 : i32
      %add3A_498 = arith.addi %mul3A_496, %add3A_497 : i32
      %dma_start3A_499 = arith.constant 1 : i32
      %dma_start3A_500 = arith.constant 1 : i32
      %dma_start3A_501 = arith.constant 0 : i32
      %dma_start3A_502 = arith.constant 0 : i32
      %dma_start3A_503 = tpu.memref_slice %arg7[%dma_start3A_499, %dma_start3A_501, %dma_start3A_502] : memref<2x200x128xf32, #tpu.memory_space<vmem>> -> memref<1x104x128xf32, #tpu.memory_space<vmem>>
      %dma_start3A_504 = tpu.memref_squeeze %dma_start3A_503 : memref<1x104x128xf32, #tpu.memory_space<vmem>> -> memref<104x128xf32, #tpu.memory_space<vmem>>
      %dma_start3A_505 = tpu.memref_slice %arg6[%add3A_498] : memref<25600xi32, #tpu.memory_space<vmem>> -> memref<104xi32, #tpu.memory_space<vmem>>
      %dma_start3A_506 = arith.constant 0 : i32
      %dma_start3A_507 = arith.constant 0 : i32
      %dma_start3A_508 = tpu.memref_slice %arg3[%dma_start3A_506, %dma_start3A_507] : memref<500000x128xf32, #tpu.memory_space<hbm>> -> memref<500000x128xf32, #tpu.memory_space<hbm>>
      %dma_start3A_509 = tpu.memref_slice %arg10[%dma_start3A_500] : memref<2x!tpu.dma_semaphore, #tpu.memory_space<semaphore_mem>> -> memref<1x!tpu.dma_semaphore, #tpu.memory_space<semaphore_mem>>
      %dma_start3A_510 = tpu.memref_squeeze %dma_start3A_509 : memref<1x!tpu.dma_semaphore, #tpu.memory_space<semaphore_mem>> -> memref<!tpu.dma_semaphore, #tpu.memory_space<semaphore_mem>>
      tpu.enqueue_indirect_dma source(%dma_start3A_508 : memref<500000x128xf32, #tpu.memory_space<hbm>>) target(%dma_start3A_504 : memref<104x128xf32, #tpu.memory_space<vmem>>) offsets(%dma_start3A_505 : memref<104xi32, #tpu.memory_space<vmem>>) semaphore(%dma_start3A_510 : memref<!tpu.dma_semaphore, #tpu.memory_space<semaphore_mem>>)
      %mul3A_511 = arith.constant 200 : i32
      %mul3A_512 = arith.muli %add3A_494, %mul3A_511 : i32
      %add3A_513 = arith.constant 104 : i32
      %add3A_514 = arith.addi %mul3A_512, %add3A_513 : i32
      %dma_start3A_515 = arith.constant 1 : i32
      %dma_start3A_516 = arith.constant 1 : i32
      %dma_start3A_517 = arith.constant 104 : i32
      %dma_start3A_518 = arith.constant 0 : i32
      %dma_start3A_519 = tpu.memref_slice %arg7[%dma_start3A_515, %dma_start3A_517, %dma_start3A_518] : memref<2x200x128xf32, #tpu.memory_space<vmem>> -> memref<1x96x128xf32, #tpu.memory_space<vmem>>
      %dma_start3A_520 = tpu.memref_squeeze %dma_start3A_519 : memref<1x96x128xf32, #tpu.memory_space<vmem>> -> memref<96x128xf32, #tpu.memory_space<vmem>>
      %dma_start3A_521 = tpu.memref_slice %arg6[%add3A_514] : memref<25600xi32, #tpu.memory_space<vmem>> -> memref<96xi32, #tpu.memory_space<vmem>>
      %dma_start3A_522 = arith.constant 0 : i32
      %dma_start3A_523 = arith.constant 0 : i32
      %dma_start3A_524 = tpu.memref_slice %arg3[%dma_start3A_522, %dma_start3A_523] : memref<500000x128xf32, #tpu.memory_space<hbm>> -> memref<500000x128xf32, #tpu.memory_space<hbm>>
      %dma_start3A_525 = tpu.memref_slice %arg10[%dma_start3A_516] : memref<2x!tpu.dma_semaphore, #tpu.memory_space<semaphore_mem>> -> memref<1x!tpu.dma_semaphore, #tpu.memory_space<semaphore_mem>>
      %dma_start3A_526 = tpu.memref_squeeze %dma_start3A_525 : memref<1x!tpu.dma_semaphore, #tpu.memory_space<semaphore_mem>> -> memref<!tpu.dma_semaphore, #tpu.memory_space<semaphore_mem>>
      tpu.enqueue_indirect_dma source(%dma_start3A_524 : memref<500000x128xf32, #tpu.memory_space<hbm>>) target(%dma_start3A_520 : memref<96x128xf32, #tpu.memory_space<vmem>>) offsets(%dma_start3A_521 : memref<96xi32, #tpu.memory_space<vmem>>) semaphore(%dma_start3A_526 : memref<!tpu.dma_semaphore, #tpu.memory_space<semaphore_mem>>)
    }
    %scan3A_60 = arith.constant 63 : i32
    %dma_wait3A = arith.constant 0 : i32
    %dma_wait3A_61 = arith.constant 0 : i32
    %dma_wait3A_62 = arith.constant 0 : i32
    %dma_wait3A_63 = arith.constant 0 : i32
    %dma_wait3A_64 = tpu.memref_slice %arg7[%dma_wait3A, %dma_wait3A_62, %dma_wait3A_63] : memref<2x200x128xf32, #tpu.memory_space<vmem>> -> memref<1x200x128xf32, #tpu.memory_space<vmem>>
    %dma_wait3A_65 = tpu.memref_squeeze %dma_wait3A_64 : memref<1x200x128xf32, #tpu.memory_space<vmem>> -> memref<200x128xf32, #tpu.memory_space<vmem>>
    %dma_wait3A_66 = arith.constant 0 : i32
    %dma_wait3A_67 = arith.constant 0 : i32
    %dma_wait3A_68 = tpu.memref_slice %arg3[%dma_wait3A_66, %dma_wait3A_67] : memref<500000x128xf32, #tpu.memory_space<hbm>> -> memref<200x128xf32, #tpu.memory_space<hbm>>
    %dma_wait3A_69 = tpu.memref_slice %arg10[%dma_wait3A_61] : memref<2x!tpu.dma_semaphore, #tpu.memory_space<semaphore_mem>> -> memref<1x!tpu.dma_semaphore, #tpu.memory_space<semaphore_mem>>
    %dma_wait3A_70 = tpu.memref_squeeze %dma_wait3A_69 : memref<1x!tpu.dma_semaphore, #tpu.memory_space<semaphore_mem>> -> memref<!tpu.dma_semaphore, #tpu.memory_space<semaphore_mem>>
    %dma_wait3A_71 = arith.constant 0 : i32
    %dma_wait3A_72 = arith.constant 0 : i32
    %dma_wait3A_73 = tpu.memref_slice %arg7[%dma_wait3A, %dma_wait3A_71, %dma_wait3A_72] : memref<2x200x128xf32, #tpu.memory_space<vmem>> -> memref<1x200x128xf32, #tpu.memory_space<vmem>>
    %dma_wait3A_74 = tpu.memref_squeeze %dma_wait3A_73 : memref<1x200x128xf32, #tpu.memory_space<vmem>> -> memref<200x128xf32, #tpu.memory_space<vmem>>
    %dma_wait3A_75 = arith.constant 0 : i32
    %dma_wait3A_76 = arith.constant 0 : i32
    %dma_wait3A_77 = tpu.memref_slice %arg3[%dma_wait3A_75, %dma_wait3A_76] : memref<500000x128xf32, #tpu.memory_space<hbm>> -> memref<200x128xf32, #tpu.memory_space<hbm>>
    tpu.wait_dma2 semaphore(%dma_wait3A_70 : memref<!tpu.dma_semaphore, #tpu.memory_space<semaphore_mem>>) src(%dma_wait3A_77 : memref<200x128xf32, #tpu.memory_space<hbm>>) dst(%dma_wait3A_74 : memref<200x128xf32, #tpu.memory_space<vmem>>)
    %broadcast_in_dim3A = arith.constant 0.000000e+00 : f32
    %broadcast_in_dim3A_78 = vector.broadcast %broadcast_in_dim3A : f32 to vector<16xf32>
    %get3A = arith.constant 112 : index
    %get3A_79 = tpu.vector_load %arg9[%get3A] {strides = array<i32>} : memref<128xi32, #tpu.memory_space<vmem>>, vector<16xi32>,
    %iota3A = tpu.iota {dimensions = array<i32: 0>} : vector<16xi32>
    %eq3A = arith.constant 14 : i32
    %eq3A_80 = vector.broadcast %eq3A : i32 to vector<16xi32>
    %eq3A_81 = arith.cmpi eq, %iota3A, %eq3A_80 : vector<16xi32>
    %jit3A = arith.constant 0 : i32
    %broadcast_in_dim3A_82 = vector.broadcast %jit3A : i32 to vector<16xi32>
    %select_n3A = arith.select %eq3A_81, %get3A_79, %broadcast_in_dim3A_82 : vector<16xi1>, vector<16xi32>
    %reduce_sum3A = arith.constant true
    %reduce_sum3A_83 = vector.broadcast %reduce_sum3A : i1 to vector<16xi1>
    %reduce_sum3A_84 = tpu.scan <sum>, %select_n3A masked %reduce_sum3A_83 : vector<16xi32>, vector<16xi1> -> vector<16xi32>
    %reduce_sum3A_85 = vector.extract %reduce_sum3A_84[15] : i32 from vector<16xi32>
    %while3A = arith.constant 0 : i32
    %while3A_86 = arith.subi %reduce_sum3A_85, %while3A : i32
    %while3A_87 = arith.addi %while3A, %while3A_86 : i32
    %while3A_88 = arith.constant 1 : i32
    %while3A_89 = arith.divsi %while3A_86, %while3A_88 : i32
    %while3A_90 = arith.muli %while3A_89, %while3A_88 : i32
    %while3A_91 = arith.addi %while3A, %while3A_90 : i32
    %while3A_92 = arith.constant 1 : i32
    %while3A_93:4 = scf.for %while3A_217 = %while3A to %while3A_91 step %while3A_92 iter_args(%while3A_218 = %broadcast_in_dim3A_78, %while3A_219 = %broadcast_in_dim3A_78, %while3A_220 = %broadcast_in_dim3A_78, %while3A_221 = %broadcast_in_dim3A_78) -> (vector<16xf32>, vector<16xf32>, vector<16xf32>, vector<16xf32>)  : i32 {
      %get3A_222 = arith.constant 0 : i32
      %get3A_223 = arith.index_cast %get3A_222 : i32 to index
      %get3A_224 = arith.index_cast %while3A_217 : i32 to index
      %get3A_225 = arith.constant 0 : index
      %get3A_226 = tpu.vector_load %arg7[%get3A_223, %get3A_224, %get3A_225] {strides = array<i32>} : memref<2x200x128xf32, #tpu.memory_space<vmem>>, vector<16xf32>,
      %add3A_227 = arith.addf %while3A_218, %get3A_226 : vector<16xf32>
      %get3A_228 = arith.constant 0 : i32
      %get3A_229 = arith.index_cast %get3A_228 : i32 to index
      %get3A_230 = arith.index_cast %while3A_217 : i32 to index
      %get3A_231 = arith.constant 16 : index
      %get3A_232 = tpu.vector_load %arg7[%get3A_229, %get3A_230, %get3A_231] {strides = array<i32>} : memref<2x200x128xf32, #tpu.memory_space<vmem>>, vector<16xf32>,
      %add3A_233 = arith.addf %while3A_219, %get3A_232 : vector<16xf32>
      %get3A_234 = arith.constant 0 : i32
      %get3A_235 = arith.index_cast %get3A_234 : i32 to index
      %get3A_236 = arith.index_cast %while3A_217 : i32 to index
      %get3A_237 = arith.constant 32 : index
      %get3A_238 = tpu.vector_load %arg7[%get3A_235, %get3A_236, %get3A_237] {strides = array<i32>} : memref<2x200x128xf32, #tpu.memory_space<vmem>>, vector<16xf32>,
      %add3A_239 = arith.addf %while3A_220, %get3A_238 : vector<16xf32>
      %get3A_240 = arith.constant 0 : i32
      %get3A_241 = arith.index_cast %get3A_240 : i32 to index
      %get3A_242 = arith.index_cast %while3A_217 : i32 to index
      %get3A_243 = arith.constant 48 : index
      %get3A_244 = tpu.vector_load %arg7[%get3A_241, %get3A_242, %get3A_243] {strides = array<i32>} : memref<2x200x128xf32, #tpu.memory_space<vmem>>, vector<16xf32>,
      %add3A_245 = arith.addf %while3A_221, %get3A_244 : vector<16xf32>
      scf.yield %add3A_227, %add3A_233, %add3A_239, %add3A_245 : vector<16xf32>, vector<16xf32>, vector<16xf32>, vector<16xf32>
    }
    %while3A_94 = arith.constant 1 : i32
    %while3A_95:4 = scf.for %while3A_217 = %while3A_91 to %while3A_87 step %while3A_94 iter_args(%while3A_218 = %while3A_93#0, %while3A_219 = %while3A_93#1, %while3A_220 = %while3A_93#2, %while3A_221 = %while3A_93#3) -> (vector<16xf32>, vector<16xf32>, vector<16xf32>, vector<16xf32>)  : i32 {
      %get3A_222 = arith.constant 0 : i32
      %get3A_223 = arith.index_cast %get3A_222 : i32 to index
      %get3A_224 = arith.index_cast %while3A_217 : i32 to index
      %get3A_225 = arith.constant 0 : index
      %get3A_226 = tpu.vector_load %arg7[%get3A_223, %get3A_224, %get3A_225] {strides = array<i32>} : memref<2x200x128xf32, #tpu.memory_space<vmem>>, vector<16xf32>,
      %add3A_227 = arith.addf %while3A_218, %get3A_226 : vector<16xf32>
      %get3A_228 = arith.constant 0 : i32
      %get3A_229 = arith.index_cast %get3A_228 : i32 to index
      %get3A_230 = arith.index_cast %while3A_217 : i32 to index
      %get3A_231 = arith.constant 16 : index
      %get3A_232 = tpu.vector_load %arg7[%get3A_229, %get3A_230, %get3A_231] {strides = array<i32>} : memref<2x200x128xf32, #tpu.memory_space<vmem>>, vector<16xf32>,
      %add3A_233 = arith.addf %while3A_219, %get3A_232 : vector<16xf32>
      %get3A_234 = arith.constant 0 : i32
      %get3A_235 = arith.index_cast %get3A_234 : i32 to index
      %get3A_236 = arith.index_cast %while3A_217 : i32 to index
      %get3A_237 = arith.constant 32 : index
      %get3A_238 = tpu.vector_load %arg7[%get3A_235, %get3A_236, %get3A_237] {strides = array<i32>} : memref<2x200x128xf32, #tpu.memory_space<vmem>>, vector<16xf32>,
      %add3A_239 = arith.addf %while3A_220, %get3A_238 : vector<16xf32>
      %get3A_240 = arith.constant 0 : i32
      %get3A_241 = arith.index_cast %get3A_240 : i32 to index
      %get3A_242 = arith.index_cast %while3A_217 : i32 to index
      %get3A_243 = arith.constant 48 : index
      %get3A_244 = tpu.vector_load %arg7[%get3A_241, %get3A_242, %get3A_243] {strides = array<i32>} : memref<2x200x128xf32, #tpu.memory_space<vmem>>, vector<16xf32>,
      %add3A_245 = arith.addf %while3A_221, %get3A_244 : vector<16xf32>
      scf.yield %add3A_227, %add3A_233, %add3A_239, %add3A_245 : vector<16xf32>, vector<16xf32>, vector<16xf32>, vector<16xf32>
    }
    %while3A_96 = arith.constant 200 : i32
    %while3A_97 = arith.subi %while3A_96, %reduce_sum3A_85 : i32
    %while3A_98 = arith.addi %reduce_sum3A_85, %while3A_97 : i32
    %while3A_99 = arith.constant 1 : i32
    %while3A_100 = arith.divsi %while3A_97, %while3A_99 : i32
    %while3A_101 = arith.muli %while3A_100, %while3A_99 : i32
    %while3A_102 = arith.addi %reduce_sum3A_85, %while3A_101 : i32
    %while3A_103 = arith.constant 1 : i32
    %while3A_104:4 = scf.for %while3A_217 = %reduce_sum3A_85 to %while3A_102 step %while3A_103 iter_args(%while3A_218 = %while3A_95#0, %while3A_219 = %while3A_95#1, %while3A_220 = %while3A_95#2, %while3A_221 = %while3A_95#3) -> (vector<16xf32>, vector<16xf32>, vector<16xf32>, vector<16xf32>)  : i32 {
      %get3A_222 = arith.constant 0 : i32
      %get3A_223 = arith.index_cast %get3A_222 : i32 to index
      %get3A_224 = arith.index_cast %while3A_217 : i32 to index
      %get3A_225 = arith.constant 64 : index
      %get3A_226 = tpu.vector_load %arg7[%get3A_223, %get3A_224, %get3A_225] {strides = array<i32>} : memref<2x200x128xf32, #tpu.memory_space<vmem>>, vector<16xf32>,
      %add3A_227 = arith.addf %while3A_218, %get3A_226 : vector<16xf32>
      %get3A_228 = arith.constant 0 : i32
      %get3A_229 = arith.index_cast %get3A_228 : i32 to index
      %get3A_230 = arith.index_cast %while3A_217 : i32 to index
      %get3A_231 = arith.constant 80 : index
      %get3A_232 = tpu.vector_load %arg7[%get3A_229, %get3A_230, %get3A_231] {strides = array<i32>} : memref<2x200x128xf32, #tpu.memory_space<vmem>>, vector<16xf32>,
      %add3A_233 = arith.addf %while3A_219, %get3A_232 : vector<16xf32>
      %get3A_234 = arith.constant 0 : i32
      %get3A_235 = arith.index_cast %get3A_234 : i32 to index
      %get3A_236 = arith.index_cast %while3A_217 : i32 to index
      %get3A_237 = arith.constant 96 : index
      %get3A_238 = tpu.vector_load %arg7[%get3A_235, %get3A_236, %get3A_237] {strides = array<i32>} : memref<2x200x128xf32, #tpu.memory_space<vmem>>, vector<16xf32>,
      %add3A_239 = arith.addf %while3A_220, %get3A_238 : vector<16xf32>
      %get3A_240 = arith.constant 0 : i32
      %get3A_241 = arith.index_cast %get3A_240 : i32 to index
      %get3A_242 = arith.index_cast %while3A_217 : i32 to index
      %get3A_243 = arith.constant 112 : index
      %get3A_244 = tpu.vector_load %arg7[%get3A_241, %get3A_242, %get3A_243] {strides = array<i32>} : memref<2x200x128xf32, #tpu.memory_space<vmem>>, vector<16xf32>,
      %add3A_245 = arith.addf %while3A_221, %get3A_244 : vector<16xf32>
      scf.yield %add3A_227, %add3A_233, %add3A_239, %add3A_245 : vector<16xf32>, vector<16xf32>, vector<16xf32>, vector<16xf32>
    }
    %while3A_105 = arith.constant 1 : i32
    %while3A_106:4 = scf.for %while3A_217 = %while3A_102 to %while3A_98 step %while3A_105 iter_args(%while3A_218 = %while3A_104#0, %while3A_219 = %while3A_104#1, %while3A_220 = %while3A_104#2, %while3A_221 = %while3A_104#3) -> (vector<16xf32>, vector<16xf32>, vector<16xf32>, vector<16xf32>)  : i32 {
      %get3A_222 = arith.constant 0 : i32
      %get3A_223 = arith.index_cast %get3A_222 : i32 to index
      %get3A_224 = arith.index_cast %while3A_217 : i32 to index
      %get3A_225 = arith.constant 64 : index
      %get3A_226 = tpu.vector_load %arg7[%get3A_223, %get3A_224, %get3A_225] {strides = array<i32>} : memref<2x200x128xf32, #tpu.memory_space<vmem>>, vector<16xf32>,
      %add3A_227 = arith.addf %while3A_218, %get3A_226 : vector<16xf32>
      %get3A_228 = arith.constant 0 : i32
      %get3A_229 = arith.index_cast %get3A_228 : i32 to index
      %get3A_230 = arith.index_cast %while3A_217 : i32 to index
      %get3A_231 = arith.constant 80 : index
      %get3A_232 = tpu.vector_load %arg7[%get3A_229, %get3A_230, %get3A_231] {strides = array<i32>} : memref<2x200x128xf32, #tpu.memory_space<vmem>>, vector<16xf32>,
      %add3A_233 = arith.addf %while3A_219, %get3A_232 : vector<16xf32>
      %get3A_234 = arith.constant 0 : i32
      %get3A_235 = arith.index_cast %get3A_234 : i32 to index
      %get3A_236 = arith.index_cast %while3A_217 : i32 to index
      %get3A_237 = arith.constant 96 : index
      %get3A_238 = tpu.vector_load %arg7[%get3A_235, %get3A_236, %get3A_237] {strides = array<i32>} : memref<2x200x128xf32, #tpu.memory_space<vmem>>, vector<16xf32>,
      %add3A_239 = arith.addf %while3A_220, %get3A_238 : vector<16xf32>
      %get3A_240 = arith.constant 0 : i32
      %get3A_241 = arith.index_cast %get3A_240 : i32 to index
      %get3A_242 = arith.index_cast %while3A_217 : i32 to index
      %get3A_243 = arith.constant 112 : index
      %get3A_244 = tpu.vector_load %arg7[%get3A_241, %get3A_242, %get3A_243] {strides = array<i32>} : memref<2x200x128xf32, #tpu.memory_space<vmem>>, vector<16xf32>,
      %add3A_245 = arith.addf %while3A_221, %get3A_244 : vector<16xf32>
      scf.yield %add3A_227, %add3A_233, %add3A_239, %add3A_245 : vector<16xf32>, vector<16xf32>, vector<16xf32>, vector<16xf32>
    }
    %mul3A_107 = arith.constant 5.000000e-03 : f32
    %mul3A_108 = vector.broadcast %mul3A_107 : f32 to vector<16xf32>
    %mul3A_109 = arith.mulf %while3A_106#0, %mul3A_108 : vector<16xf32>
    %swap3A = arith.constant 126 : i32
    %swap3A_110 = arith.index_cast %swap3A : i32 to index
    %swap3A_111 = arith.constant 0 : index
    %swap3A_112 = tpu.vector_load %arg8[%swap3A_110, %swap3A_111] {strides = array<i32>} : memref<128x64xf32, #tpu.memory_space<vmem>>, vector<16xf32>,
    tpu.vector_store %arg8[%swap3A_110, %swap3A_111], %mul3A_109 {strides = array<i32>} : memref<128x64xf32, #tpu.memory_space<vmem>>, vector<16xf32>,
    %mul3A_113 = arith.constant 5.000000e-03 : f32
    %mul3A_114 = vector.broadcast %mul3A_113 : f32 to vector<16xf32>
    %mul3A_115 = arith.mulf %while3A_106#1, %mul3A_114 : vector<16xf32>
    %swap3A_116 = arith.constant 126 : i32
    %swap3A_117 = arith.index_cast %swap3A_116 : i32 to index
    %swap3A_118 = arith.constant 16 : index
    %swap3A_119 = tpu.vector_load %arg8[%swap3A_117, %swap3A_118] {strides = array<i32>} : memref<128x64xf32, #tpu.memory_space<vmem>>, vector<16xf32>,
    tpu.vector_store %arg8[%swap3A_117, %swap3A_118], %mul3A_115 {strides = array<i32>} : memref<128x64xf32, #tpu.memory_space<vmem>>, vector<16xf32>,
    %mul3A_120 = arith.constant 5.000000e-03 : f32
    %mul3A_121 = vector.broadcast %mul3A_120 : f32 to vector<16xf32>
    %mul3A_122 = arith.mulf %while3A_106#2, %mul3A_121 : vector<16xf32>
    %swap3A_123 = arith.constant 126 : i32
    %swap3A_124 = arith.index_cast %swap3A_123 : i32 to index
    %swap3A_125 = arith.constant 32 : index
    %swap3A_126 = tpu.vector_load %arg8[%swap3A_124, %swap3A_125] {strides = array<i32>} : memref<128x64xf32, #tpu.memory_space<vmem>>, vector<16xf32>,
    tpu.vector_store %arg8[%swap3A_124, %swap3A_125], %mul3A_122 {strides = array<i32>} : memref<128x64xf32, #tpu.memory_space<vmem>>, vector<16xf32>,
    %mul3A_127 = arith.constant 5.000000e-03 : f32
    %mul3A_128 = vector.broadcast %mul3A_127 : f32 to vector<16xf32>
    %mul3A_129 = arith.mulf %while3A_106#3, %mul3A_128 : vector<16xf32>
    %swap3A_130 = arith.constant 126 : i32
    %swap3A_131 = arith.index_cast %swap3A_130 : i32 to index
    %swap3A_132 = arith.constant 48 : index
    %swap3A_133 = tpu.vector_load %arg8[%swap3A_131, %swap3A_132] {strides = array<i32>} : memref<128x64xf32, #tpu.memory_space<vmem>>, vector<16xf32>,
    tpu.vector_store %arg8[%swap3A_131, %swap3A_132], %mul3A_129 {strides = array<i32>} : memref<128x64xf32, #tpu.memory_space<vmem>>, vector<16xf32>,
    %dma_wait3A_134 = arith.constant 1 : i32
    %dma_wait3A_135 = arith.constant 1 : i32
    %dma_wait3A_136 = arith.constant 0 : i32
    %dma_wait3A_137 = arith.constant 0 : i32
    %dma_wait3A_138 = tpu.memref_slice %arg7[%dma_wait3A_134, %dma_wait3A_136, %dma_wait3A_137] : memref<2x200x128xf32, #tpu.memory_space<vmem>> -> memref<1x200x128xf32, #tpu.memory_space<vmem>>
    %dma_wait3A_139 = tpu.memref_squeeze %dma_wait3A_138 : memref<1x200x128xf32, #tpu.memory_space<vmem>> -> memref<200x128xf32, #tpu.memory_space<vmem>>
    %dma_wait3A_140 = arith.constant 0 : i32
    %dma_wait3A_141 = arith.constant 0 : i32
    %dma_wait3A_142 = tpu.memref_slice %arg3[%dma_wait3A_140, %dma_wait3A_141] : memref<500000x128xf32, #tpu.memory_space<hbm>> -> memref<200x128xf32, #tpu.memory_space<hbm>>
    %dma_wait3A_143 = tpu.memref_slice %arg10[%dma_wait3A_135] : memref<2x!tpu.dma_semaphore, #tpu.memory_space<semaphore_mem>> -> memref<1x!tpu.dma_semaphore, #tpu.memory_space<semaphore_mem>>
    %dma_wait3A_144 = tpu.memref_squeeze %dma_wait3A_143 : memref<1x!tpu.dma_semaphore, #tpu.memory_space<semaphore_mem>> -> memref<!tpu.dma_semaphore, #tpu.memory_space<semaphore_mem>>
    %dma_wait3A_145 = arith.constant 0 : i32
    %dma_wait3A_146 = arith.constant 0 : i32
    %dma_wait3A_147 = tpu.memref_slice %arg7[%dma_wait3A_134, %dma_wait3A_145, %dma_wait3A_146] : memref<2x200x128xf32, #tpu.memory_space<vmem>> -> memref<1x200x128xf32, #tpu.memory_space<vmem>>
    %dma_wait3A_148 = tpu.memref_squeeze %dma_wait3A_147 : memref<1x200x128xf32, #tpu.memory_space<vmem>> -> memref<200x128xf32, #tpu.memory_space<vmem>>
    %dma_wait3A_149 = arith.constant 0 : i32
    %dma_wait3A_150 = arith.constant 0 : i32
    %dma_wait3A_151 = tpu.memref_slice %arg3[%dma_wait3A_149, %dma_wait3A_150] : memref<500000x128xf32, #tpu.memory_space<hbm>> -> memref<200x128xf32, #tpu.memory_space<hbm>>
    tpu.wait_dma2 semaphore(%dma_wait3A_144 : memref<!tpu.dma_semaphore, #tpu.memory_space<semaphore_mem>>) src(%dma_wait3A_151 : memref<200x128xf32, #tpu.memory_space<hbm>>) dst(%dma_wait3A_148 : memref<200x128xf32, #tpu.memory_space<vmem>>)
    %broadcast_in_dim3A_152 = arith.constant 0.000000e+00 : f32
    %broadcast_in_dim3A_153 = vector.broadcast %broadcast_in_dim3A_152 : f32 to vector<16xf32>
    %get3A_154 = arith.constant 112 : index
    %get3A_155 = tpu.vector_load %arg9[%get3A_154] {strides = array<i32>} : memref<128xi32, #tpu.memory_space<vmem>>, vector<16xi32>,
    %iota3A_156 = tpu.iota {dimensions = array<i32: 0>} : vector<16xi32>
    %eq3A_157 = arith.constant 15 : i32
    %eq3A_158 = vector.broadcast %eq3A_157 : i32 to vector<16xi32>
    %eq3A_159 = arith.cmpi eq, %iota3A_156, %eq3A_158 : vector<16xi32>
    %jit3A_160 = arith.constant 0 : i32
    %broadcast_in_dim3A_161 = vector.broadcast %jit3A_160 : i32 to vector<16xi32>
    %select_n3A_162 = arith.select %eq3A_159, %get3A_155, %broadcast_in_dim3A_161 : vector<16xi1>, vector<16xi32>
    %reduce_sum3A_163 = arith.constant true
    %reduce_sum3A_164 = vector.broadcast %reduce_sum3A_163 : i1 to vector<16xi1>
    %reduce_sum3A_165 = tpu.scan <sum>, %select_n3A_162 masked %reduce_sum3A_164 : vector<16xi32>, vector<16xi1> -> vector<16xi32>
    %reduce_sum3A_166 = vector.extract %reduce_sum3A_165[15] : i32 from vector<16xi32>
    %while3A_167 = arith.constant 0 : i32
    %while3A_168 = arith.subi %reduce_sum3A_166, %while3A_167 : i32
    %while3A_169 = arith.addi %while3A_167, %while3A_168 : i32
    %while3A_170 = arith.constant 1 : i32
    %while3A_171 = arith.divsi %while3A_168, %while3A_170 : i32
    %while3A_172 = arith.muli %while3A_171, %while3A_170 : i32
    %while3A_173 = arith.addi %while3A_167, %while3A_172 : i32
    %while3A_174 = arith.constant 1 : i32
    %while3A_175:4 = scf.for %while3A_217 = %while3A_167 to %while3A_173 step %while3A_174 iter_args(%while3A_218 = %broadcast_in_dim3A_153, %while3A_219 = %broadcast_in_dim3A_153, %while3A_220 = %broadcast_in_dim3A_153, %while3A_221 = %broadcast_in_dim3A_153) -> (vector<16xf32>, vector<16xf32>, vector<16xf32>, vector<16xf32>)  : i32 {
      %get3A_222 = arith.constant 1 : i32
      %get3A_223 = arith.index_cast %get3A_222 : i32 to index
      %get3A_224 = arith.index_cast %while3A_217 : i32 to index
      %get3A_225 = arith.constant 0 : index
      %get3A_226 = tpu.vector_load %arg7[%get3A_223, %get3A_224, %get3A_225] {strides = array<i32>} : memref<2x200x128xf32, #tpu.memory_space<vmem>>, vector<16xf32>,
      %add3A_227 = arith.addf %while3A_218, %get3A_226 : vector<16xf32>
      %get3A_228 = arith.constant 1 : i32
      %get3A_229 = arith.index_cast %get3A_228 : i32 to index
      %get3A_230 = arith.index_cast %while3A_217 : i32 to index
      %get3A_231 = arith.constant 16 : index
      %get3A_232 = tpu.vector_load %arg7[%get3A_229, %get3A_230, %get3A_231] {strides = array<i32>} : memref<2x200x128xf32, #tpu.memory_space<vmem>>, vector<16xf32>,
      %add3A_233 = arith.addf %while3A_219, %get3A_232 : vector<16xf32>
      %get3A_234 = arith.constant 1 : i32
      %get3A_235 = arith.index_cast %get3A_234 : i32 to index
      %get3A_236 = arith.index_cast %while3A_217 : i32 to index
      %get3A_237 = arith.constant 32 : index
      %get3A_238 = tpu.vector_load %arg7[%get3A_235, %get3A_236, %get3A_237] {strides = array<i32>} : memref<2x200x128xf32, #tpu.memory_space<vmem>>, vector<16xf32>,
      %add3A_239 = arith.addf %while3A_220, %get3A_238 : vector<16xf32>
      %get3A_240 = arith.constant 1 : i32
      %get3A_241 = arith.index_cast %get3A_240 : i32 to index
      %get3A_242 = arith.index_cast %while3A_217 : i32 to index
      %get3A_243 = arith.constant 48 : index
      %get3A_244 = tpu.vector_load %arg7[%get3A_241, %get3A_242, %get3A_243] {strides = array<i32>} : memref<2x200x128xf32, #tpu.memory_space<vmem>>, vector<16xf32>,
      %add3A_245 = arith.addf %while3A_221, %get3A_244 : vector<16xf32>
      scf.yield %add3A_227, %add3A_233, %add3A_239, %add3A_245 : vector<16xf32>, vector<16xf32>, vector<16xf32>, vector<16xf32>
    }
    %while3A_176 = arith.constant 1 : i32
    %while3A_177:4 = scf.for %while3A_217 = %while3A_173 to %while3A_169 step %while3A_176 iter_args(%while3A_218 = %while3A_175#0, %while3A_219 = %while3A_175#1, %while3A_220 = %while3A_175#2, %while3A_221 = %while3A_175#3) -> (vector<16xf32>, vector<16xf32>, vector<16xf32>, vector<16xf32>)  : i32 {
      %get3A_222 = arith.constant 1 : i32
      %get3A_223 = arith.index_cast %get3A_222 : i32 to index
      %get3A_224 = arith.index_cast %while3A_217 : i32 to index
      %get3A_225 = arith.constant 0 : index
      %get3A_226 = tpu.vector_load %arg7[%get3A_223, %get3A_224, %get3A_225] {strides = array<i32>} : memref<2x200x128xf32, #tpu.memory_space<vmem>>, vector<16xf32>,
      %add3A_227 = arith.addf %while3A_218, %get3A_226 : vector<16xf32>
      %get3A_228 = arith.constant 1 : i32
      %get3A_229 = arith.index_cast %get3A_228 : i32 to index
      %get3A_230 = arith.index_cast %while3A_217 : i32 to index
      %get3A_231 = arith.constant 16 : index
      %get3A_232 = tpu.vector_load %arg7[%get3A_229, %get3A_230, %get3A_231] {strides = array<i32>} : memref<2x200x128xf32, #tpu.memory_space<vmem>>, vector<16xf32>,
      %add3A_233 = arith.addf %while3A_219, %get3A_232 : vector<16xf32>
      %get3A_234 = arith.constant 1 : i32
      %get3A_235 = arith.index_cast %get3A_234 : i32 to index
      %get3A_236 = arith.index_cast %while3A_217 : i32 to index
      %get3A_237 = arith.constant 32 : index
      %get3A_238 = tpu.vector_load %arg7[%get3A_235, %get3A_236, %get3A_237] {strides = array<i32>} : memref<2x200x128xf32, #tpu.memory_space<vmem>>, vector<16xf32>,
      %add3A_239 = arith.addf %while3A_220, %get3A_238 : vector<16xf32>
      %get3A_240 = arith.constant 1 : i32
      %get3A_241 = arith.index_cast %get3A_240 : i32 to index
      %get3A_242 = arith.index_cast %while3A_217 : i32 to index
      %get3A_243 = arith.constant 48 : index
      %get3A_244 = tpu.vector_load %arg7[%get3A_241, %get3A_242, %get3A_243] {strides = array<i32>} : memref<2x200x128xf32, #tpu.memory_space<vmem>>, vector<16xf32>,
      %add3A_245 = arith.addf %while3A_221, %get3A_244 : vector<16xf32>
      scf.yield %add3A_227, %add3A_233, %add3A_239, %add3A_245 : vector<16xf32>, vector<16xf32>, vector<16xf32>, vector<16xf32>
    }
    %while3A_178 = arith.constant 200 : i32
    %while3A_179 = arith.subi %while3A_178, %reduce_sum3A_166 : i32
    %while3A_180 = arith.addi %reduce_sum3A_166, %while3A_179 : i32
    %while3A_181 = arith.constant 1 : i32
    %while3A_182 = arith.divsi %while3A_179, %while3A_181 : i32
    %while3A_183 = arith.muli %while3A_182, %while3A_181 : i32
    %while3A_184 = arith.addi %reduce_sum3A_166, %while3A_183 : i32
    %while3A_185 = arith.constant 1 : i32
    %while3A_186:4 = scf.for %while3A_217 = %reduce_sum3A_166 to %while3A_184 step %while3A_185 iter_args(%while3A_218 = %while3A_177#0, %while3A_219 = %while3A_177#1, %while3A_220 = %while3A_177#2, %while3A_221 = %while3A_177#3) -> (vector<16xf32>, vector<16xf32>, vector<16xf32>, vector<16xf32>)  : i32 {
      %get3A_222 = arith.constant 1 : i32
      %get3A_223 = arith.index_cast %get3A_222 : i32 to index
      %get3A_224 = arith.index_cast %while3A_217 : i32 to index
      %get3A_225 = arith.constant 64 : index
      %get3A_226 = tpu.vector_load %arg7[%get3A_223, %get3A_224, %get3A_225] {strides = array<i32>} : memref<2x200x128xf32, #tpu.memory_space<vmem>>, vector<16xf32>,
      %add3A_227 = arith.addf %while3A_218, %get3A_226 : vector<16xf32>
      %get3A_228 = arith.constant 1 : i32
      %get3A_229 = arith.index_cast %get3A_228 : i32 to index
      %get3A_230 = arith.index_cast %while3A_217 : i32 to index
      %get3A_231 = arith.constant 80 : index
      %get3A_232 = tpu.vector_load %arg7[%get3A_229, %get3A_230, %get3A_231] {strides = array<i32>} : memref<2x200x128xf32, #tpu.memory_space<vmem>>, vector<16xf32>,
      %add3A_233 = arith.addf %while3A_219, %get3A_232 : vector<16xf32>
      %get3A_234 = arith.constant 1 : i32
      %get3A_235 = arith.index_cast %get3A_234 : i32 to index
      %get3A_236 = arith.index_cast %while3A_217 : i32 to index
      %get3A_237 = arith.constant 96 : index
      %get3A_238 = tpu.vector_load %arg7[%get3A_235, %get3A_236, %get3A_237] {strides = array<i32>} : memref<2x200x128xf32, #tpu.memory_space<vmem>>, vector<16xf32>,
      %add3A_239 = arith.addf %while3A_220, %get3A_238 : vector<16xf32>
      %get3A_240 = arith.constant 1 : i32
      %get3A_241 = arith.index_cast %get3A_240 : i32 to index
      %get3A_242 = arith.index_cast %while3A_217 : i32 to index
      %get3A_243 = arith.constant 112 : index
      %get3A_244 = tpu.vector_load %arg7[%get3A_241, %get3A_242, %get3A_243] {strides = array<i32>} : memref<2x200x128xf32, #tpu.memory_space<vmem>>, vector<16xf32>,
      %add3A_245 = arith.addf %while3A_221, %get3A_244 : vector<16xf32>
      scf.yield %add3A_227, %add3A_233, %add3A_239, %add3A_245 : vector<16xf32>, vector<16xf32>, vector<16xf32>, vector<16xf32>
    }
    %while3A_187 = arith.constant 1 : i32
    %while3A_188:4 = scf.for %while3A_217 = %while3A_184 to %while3A_180 step %while3A_187 iter_args(%while3A_218 = %while3A_186#0, %while3A_219 = %while3A_186#1, %while3A_220 = %while3A_186#2, %while3A_221 = %while3A_186#3) -> (vector<16xf32>, vector<16xf32>, vector<16xf32>, vector<16xf32>)  : i32 {
      %get3A_222 = arith.constant 1 : i32
      %get3A_223 = arith.index_cast %get3A_222 : i32 to index
      %get3A_224 = arith.index_cast %while3A_217 : i32 to index
      %get3A_225 = arith.constant 64 : index
      %get3A_226 = tpu.vector_load %arg7[%get3A_223, %get3A_224, %get3A_225] {strides = array<i32>} : memref<2x200x128xf32, #tpu.memory_space<vmem>>, vector<16xf32>,
      %add3A_227 = arith.addf %while3A_218, %get3A_226 : vector<16xf32>
      %get3A_228 = arith.constant 1 : i32
      %get3A_229 = arith.index_cast %get3A_228 : i32 to index
      %get3A_230 = arith.index_cast %while3A_217 : i32 to index
      %get3A_231 = arith.constant 80 : index
      %get3A_232 = tpu.vector_load %arg7[%get3A_229, %get3A_230, %get3A_231] {strides = array<i32>} : memref<2x200x128xf32, #tpu.memory_space<vmem>>, vector<16xf32>,
      %add3A_233 = arith.addf %while3A_219, %get3A_232 : vector<16xf32>
      %get3A_234 = arith.constant 1 : i32
      %get3A_235 = arith.index_cast %get3A_234 : i32 to index
      %get3A_236 = arith.index_cast %while3A_217 : i32 to index
      %get3A_237 = arith.constant 96 : index
      %get3A_238 = tpu.vector_load %arg7[%get3A_235, %get3A_236, %get3A_237] {strides = array<i32>} : memref<2x200x128xf32, #tpu.memory_space<vmem>>, vector<16xf32>,
      %add3A_239 = arith.addf %while3A_220, %get3A_238 : vector<16xf32>
      %get3A_240 = arith.constant 1 : i32
      %get3A_241 = arith.index_cast %get3A_240 : i32 to index
      %get3A_242 = arith.index_cast %while3A_217 : i32 to index
      %get3A_243 = arith.constant 112 : index
      %get3A_244 = tpu.vector_load %arg7[%get3A_241, %get3A_242, %get3A_243] {strides = array<i32>} : memref<2x200x128xf32, #tpu.memory_space<vmem>>, vector<16xf32>,
      %add3A_245 = arith.addf %while3A_221, %get3A_244 : vector<16xf32>
      scf.yield %add3A_227, %add3A_233, %add3A_239, %add3A_245 : vector<16xf32>, vector<16xf32>, vector<16xf32>, vector<16xf32>
    }
    %mul3A_189 = arith.constant 5.000000e-03 : f32
    %mul3A_190 = vector.broadcast %mul3A_189 : f32 to vector<16xf32>
    %mul3A_191 = arith.mulf %while3A_188#0, %mul3A_190 : vector<16xf32>
    %swap3A_192 = arith.constant 127 : i32
    %swap3A_193 = arith.index_cast %swap3A_192 : i32 to index
    %swap3A_194 = arith.constant 0 : index
    %swap3A_195 = tpu.vector_load %arg8[%swap3A_193, %swap3A_194] {strides = array<i32>} : memref<128x64xf32, #tpu.memory_space<vmem>>, vector<16xf32>,
    tpu.vector_store %arg8[%swap3A_193, %swap3A_194], %mul3A_191 {strides = array<i32>} : memref<128x64xf32, #tpu.memory_space<vmem>>, vector<16xf32>,
    %mul3A_196 = arith.constant 5.000000e-03 : f32
    %mul3A_197 = vector.broadcast %mul3A_196 : f32 to vector<16xf32>
    %mul3A_198 = arith.mulf %while3A_188#1, %mul3A_197 : vector<16xf32>
    %swap3A_199 = arith.constant 127 : i32
    %swap3A_200 = arith.index_cast %swap3A_199 : i32 to index
    %swap3A_201 = arith.constant 16 : index
    %swap3A_202 = tpu.vector_load %arg8[%swap3A_200, %swap3A_201] {strides = array<i32>} : memref<128x64xf32, #tpu.memory_space<vmem>>, vector<16xf32>,
    tpu.vector_store %arg8[%swap3A_200, %swap3A_201], %mul3A_198 {strides = array<i32>} : memref<128x64xf32, #tpu.memory_space<vmem>>, vector<16xf32>,
    %mul3A_203 = arith.constant 5.000000e-03 : f32
    %mul3A_204 = vector.broadcast %mul3A_203 : f32 to vector<16xf32>
    %mul3A_205 = arith.mulf %while3A_188#2, %mul3A_204 : vector<16xf32>
    %swap3A_206 = arith.constant 127 : i32
    %swap3A_207 = arith.index_cast %swap3A_206 : i32 to index
    %swap3A_208 = arith.constant 32 : index
    %swap3A_209 = tpu.vector_load %arg8[%swap3A_207, %swap3A_208] {strides = array<i32>} : memref<128x64xf32, #tpu.memory_space<vmem>>, vector<16xf32>,
    tpu.vector_store %arg8[%swap3A_207, %swap3A_208], %mul3A_205 {strides = array<i32>} : memref<128x64xf32, #tpu.memory_space<vmem>>, vector<16xf32>,
    %mul3A_210 = arith.constant 5.000000e-03 : f32
    %mul3A_211 = vector.broadcast %mul3A_210 : f32 to vector<16xf32>
    %mul3A_212 = arith.mulf %while3A_188#3, %mul3A_211 : vector<16xf32>
    %swap3A_213 = arith.constant 127 : i32
    %swap3A_214 = arith.index_cast %swap3A_213 : i32 to index
    %swap3A_215 = arith.constant 48 : index
    %swap3A_216 = tpu.vector_load %arg8[%swap3A_214, %swap3A_215] {strides = array<i32>} : memref<128x64xf32, #tpu.memory_space<vmem>>, vector<16xf32>,
    tpu.vector_store %arg8[%swap3A_214, %swap3A_215], %mul3A_212 {strides = array<i32>} : memref<128x64xf32, #tpu.memory_space<vmem>>, vector<16xf32>,
    "tpu.region"() ({
      %run_scoped3A = tpu.sem_alloc : memref<!tpu.dma_semaphore, #tpu.memory_space<semaphore_mem>>
      %dma_start3A_217 = arith.constant 0 : i32
      %dma_start3A_218 = tpu.memref_slice %arg5[%mul3A_2, %dma_start3A_217] : memref<4096x64xf32, #tpu.memory_space<hbm>> -> memref<128x64xf32, #tpu.memory_space<hbm>>
      %dma_start3A_219 = arith.constant 0 : i32
      %dma_start3A_220 = tpu.memref_slice %arg5[%mul3A_2, %dma_start3A_219] : memref<4096x64xf32, #tpu.memory_space<hbm>> -> memref<128x64xf32, #tpu.memory_space<hbm>>
      tpu.enqueue_dma source(%arg8 : memref<128x64xf32, #tpu.memory_space<vmem>>) target(%dma_start3A_220 : memref<128x64xf32, #tpu.memory_space<hbm>>) target_semaphore(%run_scoped3A : memref<!tpu.dma_semaphore, #tpu.memory_space<semaphore_mem>>)
      %dma_wait3A_221 = arith.constant 0 : i32
      %dma_wait3A_222 = tpu.memref_slice %arg5[%mul3A_2, %dma_wait3A_221] : memref<4096x64xf32, #tpu.memory_space<hbm>> -> memref<128x64xf32, #tpu.memory_space<hbm>>
      %dma_wait3A_223 = arith.constant 0 : i32
      %dma_wait3A_224 = tpu.memref_slice %arg5[%mul3A_2, %dma_wait3A_223] : memref<4096x64xf32, #tpu.memory_space<hbm>> -> memref<128x64xf32, #tpu.memory_space<hbm>>
      tpu.wait_dma2 semaphore(%run_scoped3A : memref<!tpu.dma_semaphore, #tpu.memory_space<semaphore_mem>>) src(%arg8 : memref<128x64xf32, #tpu.memory_space<vmem>>) dst(%dma_wait3A_224 : memref<128x64xf32, #tpu.memory_space<hbm>>)
      tpu.yield
    }) : () -> ()
    return
  }
}

module attributes {stable_mosaic.version = 14 : i64} {
  func.func @_head_body(%arg0: memref<4096x64xf32, #tpu.memory_space<vmem>>, %arg1: memref<64x50xf32, #tpu.memory_space<vmem>>, %arg2: memref<1x50xf32, #tpu.memory_space<vmem>>, %arg3: memref<4096x50xf32, #tpu.memory_space<vmem>>) attributes {dimension_semantics = [], scalar_prefetch = 0 : i64, scratch_operands = 0 : i64, tpu.core_type = #tpu.core_type<tc>} {
    %get3A = arith.constant 0 : index
    %get3A_0 = arith.constant 0 : index
    %get3A_1 = vector.load %arg0[%get3A, %get3A_0] : memref<4096x64xf32, #tpu.memory_space<vmem>>, vector<4096x64xf32>
    %get3A_2 = arith.constant 0 : index
    %get3A_3 = arith.constant 0 : index
    %get3A_4 = vector.load %arg1[%get3A_2, %get3A_3] : memref<64x50xf32, #tpu.memory_space<vmem>>, vector<64x50xf32>
    %dot_general3A = arith.constant dense<0.000000e+00> : vector<4096x50xf32>
    %dot_general3A_5 = tpu.matmul %get3A_1, %get3A_4, %dot_general3A {dimension_numbers = #tpu.dot_dimension_numbers<[1], [0], [0], [1], [0, 0, 1, 1], [], []>, transpose_lhs_hint = false} : vector<4096x64xf32>, vector<64x50xf32>, vector<4096x50xf32> -> vector<4096x50xf32>
    %get3A_6 = arith.constant 0 : index
    %get3A_7 = arith.constant 0 : index
    %get3A_8 = vector.load %arg2[%get3A_6, %get3A_7] : memref<1x50xf32, #tpu.memory_space<vmem>>, vector<1x50xf32>
    %add3A = vector.broadcast %get3A_8 : vector<1x50xf32> to vector<4096x50xf32>
    %add3A_9 = arith.addf %dot_general3A_5, %add3A : vector<4096x50xf32>
    %swap3A = arith.constant 0 : index
    %swap3A_10 = arith.constant 0 : index
    %swap3A_11 = vector.load %arg3[%swap3A, %swap3A_10] : memref<4096x50xf32, #tpu.memory_space<vmem>>, vector<4096x50xf32>
    tpu.vector_store %arg3[%swap3A, %swap3A_10], %add3A_9 {strides = array<i32>} : memref<4096x50xf32, #tpu.memory_space<vmem>>, vector<4096x50xf32>,
    return
  }
}

</mosaic_0001>

<sc_bundles>
// kernel: kernel.4.cloned.1.call-start
scs
__scs_entry_jumppad:
0x0: {  	(pc) =	sbr.rel $0x88, $3  }
0x1: {  	(tag) =	ssettag $0x0;
	lr =	simm.s32 $0x1  }
0x2: {  	[smem:$0x3F9D] =	sst lr;
	_ =	strace $0xD0000000  }
0x3: {  	_ = 	snop  }
0x4: {  	_ = 	snop  }
0x5: {  	_ = 	snop  }
0x6: {  	_ = 	snop  }
0x7: {  	_ = 	snop  }
__scs_overlays_trampoline_lowered:
0x8: {  	[smem:$0x3FAC] =	sst s0  }
0x9: {  	[smem:$0x3FAD] =	sst s1  }
0xa: {  	[smem:$0x3FAE] =	sst s2  }
0xb: {  	[smem:$0x3FAF] =	sst s3  }
0xc: {  	[smem:$0x3FB0] =	sst s4  }
0xd: {  	[smem:$0x3FB1] =	sst s5  }
0xe: {  	[smem:$0x3FB2] =	sst s6  }
0xf: {  	[smem:$0x3FB3] =	sst s7  }
0x10: {  	[smem:$0x3FB4] =	sst s8  }
0x11: {  	[smem:$0x3FB5] =	sst s9;
	s0 =	simm.s32 @!p0 $0x0  }
0x12: {  	s1 =	sld [smem:$0x3F9B];
	s0 =	simm.s32 @p0 $0x1  }
0x13: {  	[smem:$0x3FB6] =	sst s0;
	s0 =	simm.s32 @!p1 $0x0  }
0x14: {  	s2 =	sld [smem:$0x3F9A];
	s0 =	simm.s32 @p1 $0x1  }
0x15: {  	[smem:$0x3FB7] =	sst s0;
	s0 =	simm.s32 @!p2 $0x0  }
0x16: {  	s3 =	sld [smem:$0x3FDB];
	s0 =	simm.s32 @p2 $0x1  }
0x17: {  	s4 =	simm.s32 $0x1BF5;
	[smem:$0x3FB9] =	sst s0  }
0x18: {  	s0 =	sld [smem:$0x3F9C];
	_ =	swait.ge [sflag:s4], $0x0  }
0x19: {  	s7 =	sld [smem:$0x3F9D]  }
0x1a: {  	s8 =	sadd.s32 $0xFFFFE003, lr  }
0x1b: {  	s9 =	sadd.s32 $0xFFFFFEF7, lr;
	s5 =	simm.s32 $0xFFFFFFFF;
	p2 =	slt.u32 s8, $0xFFFFF086  }
0x1c: {  	p1 =	slt.u32 s9, $0xF7A;
	s5 =	simm.s32 @!p2 $0x0  }
0x1d: {  	s5 =	simm.s32 @p1 $0x1;
	p0 =	seq.s32 s7, s2  }
0x1e: {  	s7 =	smul.u32 @!p0 $0xF7A, s2;
	p2 =	seq.s32 @!p0 s5, $0x0  }
0x1f: {  	s9 =	smul.u32 $0xF7A, s1;
	s8 =	simm.s32 @!p0 $0x1BF5;
	p2 =	por !p2, p0  }
0x20: {  	[sflag:s8] =	ssyncset.s32 @!p0 $0xFFFFF086;
	s6 =	sadd.s32 @!p0 s3, s7;
	s7 =	simm.s32 @!p0 $0x108  }
0x21: {  	s3 =	sadd.s32 s3, s9;
	s6 =	sadd.s32 @!p0 $0x88, s6;
	s7 =	simm.s32 @p2 $0x1082  }
0x22: {  	[simem:s7], [sflag:s8] =	dma.local @!p0 [hbm:s6], $0xF7A  }
0x23: {  	s9 =	sor.u32 $0xD0000000, s2;
	s6 =	simm.s32 $0x108;
	_ =	swait.ge @!p0 [sflag:s8], $0x0  }
0x24: {  	s3 =	sadd.s32 $0x88, s3;
	s6 =	simm.s32 @!p1 $0x1082;
	[sflag:s4] =	ssyncset.s32 $0xFFFFF086  }
0x25: {  	[simem:s6], [sflag:s4] =	dma.local [hbm:s3], $0xF7A  }
0x26: {  	[smem:$0x3F9D] =	sst s1;
	(tag) =	ssettag s2;
	_ =	strace s9  }
0x27: {  	s1 =	sld [smem:$0x3FAD]  }
0x28: {  	s2 =	sld [smem:$0x3FAE]  }
0x29: {  	s4 =	sld [smem:$0x3FB0]  }
0x2a: {  	p0 =	seq.s32 s5, $0x0;
	s5 =	sld [smem:$0x3FB1]  }
0x2b: {  	s6 =	sld [smem:$0x3FB2]  }
0x2c: {  	s7 =	sld [smem:$0x3FB3]  }
0x2d: {  	s3 =	simm.s32 $0x108;
	s8 =	sld [smem:$0x3FB4]  }
0x2e: {  	s3 =	simm.s32 @!p0 $0x1082;
	s9 =	sld [smem:$0x3FB5]  }
0x2f: {  	lr =	sadd.s32 s0, s3;
	s0 =	sld [smem:$0x3FAC]  }
0x30: {  	s3 =	sld [smem:$0x3FAF]  }
0x31: {  	[smem:$0x3FB8] =	sst s10  }
0x32: {  	s10 =	sld [smem:$0x3FB6];
	_ =	sdelay $0x3  }
0x33: {  	p0 =	seq.s32 s10, $0x1;
	s10 =	sld [smem:$0x3FB8];
	_ =	sdelay $0x3  }
0x34: {  	[smem:$0x3FB8] =	sst s10  }
0x35: {  	s10 =	sld [smem:$0x3FB7];
	_ =	sdelay $0x3  }
0x36: {  	p1 =	seq.s32 s10, $0x1;
	s10 =	sld [smem:$0x3FB8];
	_ =	sdelay $0x3  }
0x37: {  	[smem:$0x3FB8] =	sst s10  }
0x38: {  	s10 =	sld [smem:$0x3FB9]  }
0x39: {  	_ = 	snop;
	(pc) =	sbr.ind lr, $3  }
0x3a: {  	_ = 	snop  }
0x3b: {  	_ = 	snop  }
0x3c: {  	p2 =	seq.s32 s10, $0x1;
	s10 =	sld [smem:$0x3FB8]  }
0x3d: {  	_ =	shalt  }
0x3e: {  	_ =	shalt  }
0x3f: {  	_ =	shalt  }
0x40: {  	_ =	shalt  }
0x41: {  	_ =	shalt  }
0x42: {  	_ =	shalt  }
0x43: {  	_ =	shalt  }
0x44: {  	_ =	shalt  }
0x45: {  	_ =	shalt  }
0x46: {  	_ =	shalt  }
0x47: {  	_ =	shalt  }
0x48: {  	_ =	shalt  }
0x49: {  	_ =	shalt  }
0x4a: {  	_ =	shalt  }
0x4b: {  	_ =	shalt  }
0x4c: {  	_ =	shalt  }
0x4d: {  	_ =	shalt  }
0x4e: {  	_ =	shalt  }
0x4f: {  	_ =	shalt  }
0x50: {  	_ =	shalt  }
0x51: {  	_ =	shalt  }
0x52: {  	_ =	shalt  }
0x53: {  	_ =	shalt  }
0x54: {  	_ =	shalt  }
0x55: {  	_ =	shalt  }
0x56: {  	_ =	shalt  }
0x57: {  	_ =	shalt  }
0x58: {  	_ =	shalt  }
0x59: {  	_ =	shalt  }
0x5a: {  	_ =	shalt  }
0x5b: {  	_ =	shalt  }
0x5c: {  	_ =	shalt  }
0x5d: {  	_ =	shalt  }
0x5e: {  	_ =	shalt  }
0x5f: {  	_ =	shalt  }
0x60: {  	_ =	shalt  }
0x61: {  	_ =	shalt  }
0x62: {  	_ =	shalt  }
0x63: {  	_ =	shalt  }
0x64: {  	_ =	shalt  }
0x65: {  	_ =	shalt  }
0x66: {  	_ =	shalt  }
0x67: {  	_ =	shalt  }
0x68: {  	_ =	shalt  }
0x69: {  	_ =	shalt  }
0x6a: {  	_ =	shalt  }
0x6b: {  	_ =	shalt  }
0x6c: {  	_ =	shalt  }
0x6d: {  	_ =	shalt  }
0x6e: {  	_ =	shalt  }
0x6f: {  	_ =	shalt  }
0x70: {  	_ =	shalt  }
0x71: {  	_ =	shalt  }
0x72: {  	_ =	shalt  }
0x73: {  	_ =	shalt  }
0x74: {  	_ =	shalt  }
0x75: {  	_ =	shalt  }
0x76: {  	_ =	shalt  }
0x77: {  	_ =	shalt  }
0x78: {  	_ =	shalt  }
0x79: {  	_ =	shalt  }
0x7a: {  	_ =	shalt  }
0x7b: {  	_ =	shalt  }
0x7c: {  	_ =	shalt  }
0x7d: {  	_ =	shalt  }
0x7e: {  	_ =	shalt  }
0x7f: {  	_ =	shalt  }
0x80: {  	_ =	shalt  }
0x81: {  	_ =	shalt  }
0x82: {  	_ =	shalt  }
0x83: {  	_ =	shalt  }
0x84: {  	_ =	shalt  }
0x85: {  	_ =	shalt  }
0x86: {  	_ =	shalt  }
0x87: {  	_ =	shalt  }
.Lfunc_end0:
.L_simem_size_0:
called_computation.1_lowered:
.L_overlay_start_0:
0x88: {  	s2 =	sld [smem:$0x3FD9]  }
0x89: {  	s3 =	sld [smem:$0x3FFE];
	_ =	sdelay $0x1  }
0x8a: {  	s1 =	srdreg.scid  }
0x8b: {  	s0 =	sand.u32 $0x1, s1  }
0x8c: {  	s17 =	sshll.u32 s0, $0xA;
	s2 =	sadd.s32 s3, s2  }
0x8d: {  	s2 =	sadd.s32 s2, s17  }
0x8e: {  	[smem:$0x3FC4] =	sst s2  }
0x8f: {  	_ = 	snop  }
0x90: {  	s2 =	sld [smem:$0x3FD0];
	(tm) =	ssettm $0x1  }
0x91: {  	s18 =	sld [smem:$0x3FFB];
	_ =	sdelay $0x3  }
0x92: {  	_ =	strace s18  }
0x93: {  	s3 =	sld [smem:$0x3FFC];
	_ =	sdelay $0x3  }
0x94: {  	_ =	strace s3  }
0x95: {  	s3 =	sld [smem:$0x3FFD];
	_ =	sdelay $0x3  }
0x96: {  	_ =	strace s3  }
0x97: {  	_ =	strace $0x8FFFFFFF  }
0x98: {  	s19 =	sld [smem:$0x3FDB];
	_ =	sdelay $0x1  }
0x99: {  	s4 =	simm.s32 $_scs_section_size  }
0x9a: {  	s5 =	simm.s32 $_size__tile_overlayer_lowered;
	s6 =	simm.s32 $_tile_overlayer_lowered  }
0x9b: {  	s22 =	simm.s32 $0x1BFF;
	s21 =	sshll.u32 s6, $0x1;
	s3 =	sadd.s32 s4, s19  }
0x9c: {  	s7 =	simm.s32 $0x0;
	s20 =	sshll.u32 s5, $0x1;
	s5 =	sadd.s32 s21, s3  }
0x9d: {  	[timem:s7], [sflag:s22] =	dma.local [hbm:s5], s20  }
0x9e: {  	_ =	swait.ge [sflag:s22], s20  }
0x9f: {  	s4 =	ssub.s32 $0x0, s20;
	[sflag:s22] =	ssyncset.done $0x0  }
0xa0: {  	[sflag:s22] =	ssyncadd.s32 s4;
	_ =	sdelay $0x1  }
0xa1: {  	s23 =	simm.s32 $0x1B8B  }
0xa2: {  	_ =	swait.ge [sflag:s23], $0x1  }
0xa3: {  	[sflag:s23] =	ssyncset.done $0x0  }
0xa4: {  	s25 =	simm.s32 $0x1B8E;
	s24 =	sld [smem:$0x3FFE];
	[sflag:s23] =	ssyncadd.s32 $0xFFFFFFFF  }
0xa5: {  	s26 =	simm.s32 $execute0_lowered;
	[smem:$0x3FD2] =	sst s25  }
0xa6: {  	s5 =	sshll.u32 s26, $0x1;
	_ =	strace $0x80000049;
	[dreg:$0x1] =	wrdreg $0xFFFFFFFF  }
0xa7: {  	s28 =	simm.s32 $_size_execute0_lowered;
	s3 =	sadd.s32 s3, s5;
	[dreg:$0x0] =	wrdreg $0x0  }
0xa8: {  	s5 =	sshll.u32 s28, $0x1;
	[dreg:$0x2] =	wrdreg s3  }
0xa9: {  	[dreg:$0x3] =	wrdreg s5  }
0xaa: {  	[dreg:$0x4] =	wrdreg $0xC0  }
0xab: {  	_ =	task [dreg:s7], $0x5FFFF  }
0xac: {  	[dreg:$0x1] =	wrdreg $0xFFFFFFFF  }
0xad: {  	[dreg:$0x0] =	wrdreg $0x60  }
0xae: {  	[dreg:$0x2] =	wrdreg s24  }
0xaf: {  	[dreg:$0x3] =	wrdreg s2  }
0xb0: {  	[dreg:$0x4] =	wrdreg $0x9  }
0xb1: {  	_ =	task.clear_ibuf [dreg:s7], $0x5FFFF;
	_ =	strace $0x90000049  }
0xb2: {  	s29 =	simm.s32 $0x9;
	_ =	strace $0x8000004B  }
0xb3: {  	_ =	swait.ge [sflag:s29], $0x1  }
0xb4: {  	[sflag:s29] =	ssyncadd.s32 $0xFFFFFFFF  }
0xb5: {  	_ =	strace $0x9000004B  }
0xb6: {  	_ =	sfence  }
0xb7: {  	s30 =	sld [smem:$0x0];
	_ =	sdelay $0x2  }
0xb8: {  	s31 =	sshll.u32 s1, $0xD;
	s1 =	sshrl.u32 s1, $0x2  }
0xb9: {  	s3 =	sand.u32 $0x4000, s31;
	s1 =	sadd.s32 s1, s30  }
0xba: {  	s0 =	sor.u32 s3, s0;
	s1 =	sshll.u32 s1, $0x11  }
0xbb: {  	s0 =	sor.u32 s1, s0  }
0xbc: {  	s0 =	sadd.s32 $0x8F2B, s0  }
0xbd: {  	[sflag:s0] =	ssyncadd.remote.s32 $0x1  }
0xbe: {  	_ =	sfence.sel $0xFFFF  }
0xbf: {  	[dreg:$0x0] =	wrdreg $0xFFFFFFFF;
	(pc) =	sbr.abs _section_cstart, $3  }
0xc0: {  	[dreg:$0x1] =	wrdreg $0xFFFFFFFF  }
0xc1: {  	_ =	task.clear_ibuf [dreg:s7], $0x2FFFF;
	_ =	strace $0x9FFFFFFF  }
0xc2: {  	(tm) =	ssettm $0x7FFFFFFF  }
0xc3: {  	_ =	shalt  }
tec
execute0_lowered:
.L_overlay_start_1:
0x0: {  	(tag) =	ssettag $0x1  }
0x1: {  	s4 =	rddreg [dreg:$0x0]  }
0x2: {  	s5 =	rddreg [dreg:$0x1]  }
0x3: {  	s0 =	rddreg [dreg:$0x2];
	s2 =	simm.s32 $0x0;
	s3 =	srdreg.scid  }
0x4: {  	s1 =	stileid.u32;
	s11 =	simm.s32 $0x6400;
	s12 =	simm.s32 $0x60  }
0x5: {  	s13 =	simm.s32 $0x9800;
	s14 =	simm.s32 $0xC8;
	s15 =	simm.s32 $0xC800  }
0x6: {  	s16 =	simm.s32 $0x130;
	s17 =	simm.s32 $0xFC00;
	s18 =	simm.s32 $0x1  }
0x7: {  	s19 =	simm.s32 $0x2;
	s20 =	simm.s32 $0x12C00;
	s21 =	simm.s32 $0x0  }
0x8: {  	[smem:$0x7FF] =	sst s2;
	s6 =	sand.u32 $0x1, s3;
	s7 =	sshll.u32 s1, $0x1  }
0x9: {  	s3 =	sadd.s32 $0xF8D400, s4;
	_ =	strace $0x8000004A;
	s7 =	sor.u32 s6, s7  }
.Ltmp0:
0xa: {  	s6 =	ssub.s32 $0x2, s6;
	s8 =	sshll.u32 s7, $0xB;
	(pc) =	sbr.rel .LBB2_1-.Ltmp0, $4  }
0xb: {  	s9 =	sshrl.u32 s6, $0x1;
	s10 =	smul.u32 $0xC80, s7;
	s31 =	sshll.u32 s7, $0x4  }
0xc: {  	s8 =	sadd.s32 s8, s4;
	s9 =	ssub.s32 s6, s9;
	s5 =	sadd.s32 s5, s31  }
0xd: {  	s4 =	sadd.s32 s4, s10;
	s6 =	sadd.s32 $0x19000, s8;
	s7 =	smax.u32 s9, $0x1  }
0xe: {  	v0 =	vlaneseq.u32;
	vm0 =	vcmask $0x373C;
	vm1 =	vmmov $0x7fff;
	s8 =	simm.s32 $0x3;
	s9 =	simm.s32 $0x16C00;
	s10 =	simm.s32 $0x68  }
.LBB2_35:
0xf: {  	v3 =	vadd.f32 v5, v3  }
0x10: {  	v1 =	vadd.f32 v6, v1;
	v4 =	vadd.f32 v7, v4  }
.LBB2_36:
0x11: {  	v3 =	vmul.f32 $4.999999890e-03, v3  }
0x12: {  	v2 =	vmul.f32 $4.999999890e-03, v2  }
0x13: {  	v4 =	vmul.f32 $4.999999890e-03, v4;
	[tilespmem:$0x16B90] =	vst v3  }
0x14: {  	s21 =	sadd.s32 $0x1, s21;
	v1 =	vmul.f32 $4.999999890e-03, v1;
	[tilespmem:$0x16BB0] =	vst v2  }
0x15: {  	p0 =	sne.s32 s21, s7;
	[tilespmem:$0x16B80] =	vst v4  }
.Ltmp1:
0x16: {  	[tilespmem:$0x16BA0] =	vst v1;
	(pc) =	sbr.rel @!p0 .LBB2_37-.Ltmp1, $4  }
0x17: {  	[hbm4b:s6+s2] =	stream.linear.scatter [tilespmem:s20], [sflag:$0x3], $0x4000, $0x38;
	[tilespmem:$0x16C80] =	vst v63  }
0x18: {  	_ =	swait.ge [sflag:s8], $0x4000  }
0x19: {  	[sflag:s8] =	ssyncset.done $0x0  }
0x1a: {  	[sflag:s8] =	ssyncadd.s32 $0xFFFFC000  }
.LBB2_1:
0x1b: {  	[tilespmem:s2], [sflag:$0x3] =	stream.linear.gather [hbm4b:s4+s2], $0x6400, $0x38;
	[tilespmem:$0x16C80] =	vst v63  }
0x1c: {  	_ =	swait.ge [sflag:s8], $0x6400  }
0x1d: {  	[sflag:s8] =	ssyncset.done $0x0  }
0x1e: {  	[sflag:s8] =	ssyncadd.s32 $0xFFFF9C00  }
0x1f: {  	[tilespmem:s9], [sflag:$0x3] =	stream.linear.gather [hbm4b:s5+s2], $0x80, $0x38;
	[tilespmem:$0x16C80] =	vst v63  }
0x20: {  	_ =	swait.ge [sflag:s8], $0x80  }
0x21: {  	[sflag:s8] =	ssyncset.done $0x0  }
0x22: {  	[sflag:s8] =	ssyncadd.s32 $0xFFFFFF80  }
0x23: {  	[tilespmem:s11], [sflag:$0x1] =	stream.indirect.gather [hbm4b:s3+s10], $0x80, s2, s10, $0xb8;
	[tilespmem:$0x16C80] =	vst v63  }
0x24: {  	_ = 	snop  }
0x25: {  	[tilespmem:s13], [sflag:$0x1] =	stream.indirect.gather [hbm4b:s3+s12], $0x80, s10, s12, $0xb8;
	[tilespmem:$0x16C80] =	vst v63  }
.Ltmp2:
0x26: {  	_ = 	snop;
	(pc) =	sbr.rel .LBB2_2-.Ltmp2, $4  }
0x27: {  	_ = 	snop  }
0x28: {  	[tilespmem:s15], [sflag:$0x2] =	stream.indirect.gather [hbm4b:s3+s10], $0x80, s14, s10, $0xb8;
	[tilespmem:$0x16C80] =	vst v63  }
0x29: {  	s22 =	simm.s32 $0x0  }
0x2a: {  	[tilespmem:s17], [sflag:$0x2] =	stream.indirect.gather [hbm4b:s3+s12], $0x80, s16, s12, $0xb8;
	[tilespmem:$0x16C80] =	vst v63  }
.LBB2_16:
0x2b: {  	v3 =	vadd.f32 v5, v3  }
0x2c: {  	v1 =	vadd.f32 v6, v1;
	v4 =	vadd.f32 v7, v4  }
.LBB2_17:
0x2d: {  	s24 =	sshll.u32 s24, $0x7;
	v3 =	vmul.f32 $4.999999890e-03, v3  }
0x2e: {  	v2 =	vmul.f32 $4.999999890e-03, v2;
	s24 =	sand.u32 $0x3FFFFF80, s24  }
0x2f: {  	s22 =	sadd.s32 $0x1, s22;
	v4 =	vmul.f32 $4.999999890e-03, v4;
	[tilespmem:s24+$0x12C10] =	vst v3  }
0x30: {  	v1 =	vmul.f32 $4.999999890e-03, v1;
	p0 =	sne.s32 s22, $0x3F;
	[tilespmem:s24+$0x12C30] =	vst v2  }
.Ltmp3:
0x31: {  	[tilespmem:s24+$0x12C00] =	vst v4;
	(pc) =	sbr.rel @!p0 .LBB2_18-.Ltmp3, $4  }
0x32: {  	s30 =	sadd.s32 $0x258, s23;
	[tilespmem:s24+$0x12C20] =	vst v1  }
0x33: {  	[tilespmem:s15], [sflag:$0x2] =	stream.indirect.gather [hbm4b:s3+s10], $0x80, s30, s10, $0xb8;
	[tilespmem:$0x16C80] =	vst v63  }
0x34: {  	s31 =	sadd.s32 $0x2C0, s23  }
0x35: {  	[tilespmem:s17], [sflag:$0x2] =	stream.indirect.gather [hbm4b:s3+s12], $0x80, s31, s12, $0xb8;
	[tilespmem:$0x16C80] =	vst v63  }
.LBB2_2:
0x36: {  	_ =	swait.ge [sflag:s18], $0x6400;
	s23 =	sshll.u32 s22, $0x3  }
0x37: {  	[sflag:s18] =	ssyncset.done $0x0;
	s23 =	sand.u32 $0x1C0, s23  }
0x38: {  	[sflag:s18] =	ssyncadd.s32 $0xFFFF9C00;
	s24 =	sshrl.u32 s23, $0x2  }
0x39: {  	v1 =	vld [tilespmem:s24+$0x16C00]  }
0x3a: {  	s25 =	sshll.u32 s22, $0x1  }
0x3b: {  	s31 =	sand.u32 $0xE, s25  }
0x3c: {  	v2 =	vmov s31  }
0x3d: {  	vm2 =	veq.s32 v2, v0  }
0x3e: {  	v1 =	vnsel vm2, $0x0, v1  }
0x3f: {  	(xrf0) =	vadd.scan.msk.s32 $0xffff, v1;
	_ =	sdelay $0x5  }
0x40: {  	v1, _, _ =	vpop (xrf0)  }
0x41: {  	(v2sf) =	vpush v1, $0xF;
	_ =	sdelay $0xe  }
0x42: {  	s23 =	spop (v2sf)  }
0x43: {  	p0 =	sgt.s32 s23, $0x0  }
.Ltmp4:
0x44: {  	_ = 	snop;
	(pc) =	sbr.rel @!p0 .LBB2_3-.Ltmp4, $2  }
0x45: {  	_ =	sdelay $0x2  }
0x46: {  	s28 =	simm.s32 $0x6420;
	v1 =	vimm.f32 $0.0e+00  }
0x47: {  	v2 =	vld [tilespmem:s28+$0x10];
	p0 =	seq.s32 s23, $0x1  }
.Ltmp5:
0x48: {  	v3 =	vld [tilespmem:s28+$0xFFFFFFF0];
	(pc) =	sbr.rel @p0 .LBB2_12-.Ltmp5, $3  }
0x49: {  	v4 =	vld [tilespmem:s28+$0x0]  }
0x4a: {  	v5 =	vld [tilespmem:s28+$0xFFFFFFE0];
	_ =	sdelay $0x1  }
0x4b: {  	s26 =	sadd.s32 $0xFFFFFFFF, s23;
	s28 =	sadd.s32 $0x80, s28;
	v6 =	vimm.f32 $0.0e+00;
	v7 =	vimm.f32 $0.0e+00;
	v2 =	vadd.f32 v2, v1  }
.LBB2_11:
0x4c: {  	v8 =	vld [tilespmem:s28+$0x10];
	p0 =	seq.s32 s26, $0x1;
	s26 =	sadd.s32 $0xFFFFFFFF, s26;
	v1 =	vadd.f32 v3, v1  }
.Ltmp6:
0x4d: {  	v3 =	vld [tilespmem:s28+$0xFFFFFFF0];
	v6 =	vadd.f32 v4, v6;
	(pc) =	sbr.rel @!p0 .LBB2_11-.Ltmp6, $3  }
0x4e: {  	v4 =	vld [tilespmem:s28+$0x0];
	v7 =	vadd.f32 v5, v7  }
0x4f: {  	v5 =	vld [tilespmem:s28+$0xFFFFFFE0];
	_ =	sdelay $0x1  }
0x50: {  	s28 =	sadd.s32 $0x80, s28;
	v2 =	vadd.f32 v8, v2  }
.LBB2_12:
0x51: {  	_ = 	snop  }
0x52: {  	v3 =	vadd.f32 v3, v1  }
0x53: {  	v1 =	vadd.f32 v4, v6;
	v4 =	vadd.f32 v5, v7  }
0x54: {  	p0 =	sgt.u32 s23, $0xC7  }
.Ltmp7:
0x55: {  	_ = 	snop;
	(pc) =	sbr.rel @p0 .LBB2_8-.Ltmp7, $4  }
.Ltmp8:
0x56: {  	_ = 	snop;
	(pc) =	sbr.rel @!p0 .LBB2_5-.Ltmp8, $4  }
0x57: {  	_ = 	snop  }
0x58: {  	_ = 	snop  }
0x59: {  	_ = 	snop  }
0x5a: {  	_ = 	snop  }
.LBB2_3:
0x5b: {  	v2 =	vimm.f32 $0.0e+00;
	v3 =	vimm.f32 $0.0e+00;
	v4 =	vimm.f32 $0.0e+00  }
.LBB2_5:
0x5c: {  	s26 =	sshll.u32 s23, $0x9  }
0x5d: {  	s26 =	sshra.s32 s26, $0x2  }
0x5e: {  	s31 =	ssub.s32 $0xC8, s23;
	s26 =	sadd.s32 $0x6470, s26  }
0x5f: {  	p0 =	sne.s32 s31, $0x1;
	v8 =	vld [tilespmem:s26+$0x0]  }
.Ltmp9:
0x60: {  	v5 =	vld [tilespmem:s26+$0xFFFFFFE0];
	(pc) =	sbr.rel @!p0 .LBB2_7-.Ltmp9, $3  }
0x61: {  	v6 =	vld [tilespmem:s26+$0xFFFFFFF0]  }
0x62: {  	v7 =	vld [tilespmem:s26+$0xFFFFFFD0];
	_ =	sdelay $0x1  }
0x63: {  	s23 =	sadd.s32 $0xFFFFFFFF, s31;
	s26 =	sadd.s32 $0x80, s26;
	v2 =	vadd.f32 v8, v2  }
.LBB2_6:
0x64: {  	v8 =	vld [tilespmem:s26+$0x0];
	p0 =	sne.s32 s23, $0x1;
	s23 =	sadd.s32 $0xFFFFFFFF, s23;
	v3 =	vadd.f32 v5, v3  }
.Ltmp10:
0x65: {  	v5 =	vld [tilespmem:s26+$0xFFFFFFE0];
	v1 =	vadd.f32 v6, v1;
	(pc) =	sbr.rel @p0 .LBB2_6-.Ltmp10, $3  }
0x66: {  	v6 =	vld [tilespmem:s26+$0xFFFFFFF0];
	v4 =	vadd.f32 v7, v4  }
0x67: {  	v7 =	vld [tilespmem:s26+$0xFFFFFFD0];
	_ =	sdelay $0x1  }
0x68: {  	s26 =	sadd.s32 $0x80, s26;
	v2 =	vadd.f32 v8, v2  }
.LBB2_7:
0x69: {  	_ = 	snop  }
0x6a: {  	v3 =	vadd.f32 v5, v3  }
0x6b: {  	v1 =	vadd.f32 v6, v1;
	v4 =	vadd.f32 v7, v4  }
.LBB2_8:
0x6c: {  	s23 =	sshll.u32 s22, $0x8;
	v3 =	vmul.f32 $4.999999890e-03, v3  }
0x6d: {  	v2 =	vmul.f32 $4.999999890e-03, v2;
	s26 =	sand.u32 $0x3FFFFF00, s23  }
0x6e: {  	s29 =	smul.u32 $0x640, s22;
	v4 =	vmul.f32 $4.999999890e-03, v4;
	[tilespmem:s26+$0x12C10] =	vst v3  }
0x6f: {  	v1 =	vmul.f32 $4.999999890e-03, v1;
	[tilespmem:s26+$0x12C30] =	vst v2  }
0x70: {  	s23 =	sshra.s32 s29, $0x2;
	[tilespmem:s26+$0x12C00] =	vst v4  }
0x71: {  	[tilespmem:s26+$0x12C20] =	vst v1;
	s30 =	sadd.s32 $0x190, s23  }
0x72: {  	[tilespmem:s11], [sflag:$0x1] =	stream.indirect.gather [hbm4b:s3+s10], $0x80, s30, s10, $0xb8;
	[tilespmem:$0x16C80] =	vst v63  }
0x73: {  	s31 =	sadd.s32 $0x1F8, s23  }
0x74: {  	[tilespmem:s13], [sflag:$0x1] =	stream.indirect.gather [hbm4b:s3+s12], $0x80, s31, s12, $0xb8;
	[tilespmem:$0x16C80] =	vst v63  }
0x75: {  	_ =	swait.ge [sflag:s19], $0x6400  }
0x76: {  	[sflag:s19] =	ssyncset.done $0x0  }
0x77: {  	[sflag:s19] =	ssyncadd.s32 $0xFFFF9C00  }
0x78: {  	v1 =	vld [tilespmem:s24+$0x16C00]  }
0x79: {  	s24 =	sor.u32 $0x1, s25  }
0x7a: {  	s25 =	sand.u32 $0xF, s24  }
0x7b: {  	v2 =	vmov s25  }
0x7c: {  	vm2 =	veq.s32 v2, v0  }
0x7d: {  	v1 =	vnsel vm2, $0x0, v1  }
0x7e: {  	(xrf0) =	vadd.scan.msk.s32 $0xffff, v1;
	_ =	sdelay $0x5  }
0x7f: {  	v1, _, _ =	vpop (xrf0)  }
0x80: {  	(v2sf) =	vpush v1, $0xF;
	_ =	sdelay $0xe  }
0x81: {  	s25 =	spop (v2sf)  }
0x82: {  	p0 =	sgt.s32 s25, $0x0  }
.Ltmp11:
0x83: {  	_ = 	snop;
	(pc) =	sbr.rel @!p0 .LBB2_9-.Ltmp11, $2  }
0x84: {  	_ =	sdelay $0x2  }
0x85: {  	s28 =	simm.s32 $0xC800;
	v1 =	vimm.f32 $0.0e+00  }
0x86: {  	v2 =	vld [tilespmem:s28+$0x30];
	p0 =	seq.s32 s25, $0x1  }
.Ltmp12:
0x87: {  	v3 =	vld [tilespmem:s28+$0x10];
	(pc) =	sbr.rel @p0 .LBB2_22-.Ltmp12, $3  }
0x88: {  	v4 =	vld [tilespmem:s28+$0x20]  }
0x89: {  	v5 =	vld [tilespmem:s28+$0x0];
	_ =	sdelay $0x1  }
0x8a: {  	s26 =	sadd.s32 $0xFFFFFFFF, s25;
	s28 =	sadd.s32 $0x80, s28;
	v6 =	vimm.f32 $0.0e+00;
	v7 =	vimm.f32 $0.0e+00;
	v2 =	vadd.f32 v2, v1  }
.LBB2_21:
0x8b: {  	v8 =	vld [tilespmem:s28+$0x30];
	p0 =	seq.s32 s26, $0x1;
	s26 =	sadd.s32 $0xFFFFFFFF, s26;
	v1 =	vadd.f32 v3, v1  }
.Ltmp13:
0x8c: {  	v3 =	vld [tilespmem:s28+$0x10];
	v6 =	vadd.f32 v4, v6;
	(pc) =	sbr.rel @!p0 .LBB2_21-.Ltmp13, $3  }
0x8d: {  	v4 =	vld [tilespmem:s28+$0x20];
	v7 =	vadd.f32 v5, v7  }
0x8e: {  	v5 =	vld [tilespmem:s28+$0x0];
	_ =	sdelay $0x1  }
0x8f: {  	s28 =	sadd.s32 $0x80, s28;
	v2 =	vadd.f32 v8, v2  }
.LBB2_22:
0x90: {  	_ = 	snop  }
0x91: {  	v3 =	vadd.f32 v3, v1  }
0x92: {  	v1 =	vadd.f32 v4, v6;
	v4 =	vadd.f32 v5, v7  }
0x93: {  	p0 =	sgt.u32 s25, $0xC7  }
.Ltmp14:
0x94: {  	_ = 	snop;
	(pc) =	sbr.rel @p0 .LBB2_17-.Ltmp14, $4  }
.Ltmp15:
0x95: {  	_ = 	snop;
	(pc) =	sbr.rel @!p0 .LBB2_14-.Ltmp15, $4  }
0x96: {  	_ = 	snop  }
0x97: {  	_ = 	snop  }
0x98: {  	_ = 	snop  }
0x99: {  	_ = 	snop  }
.LBB2_9:
0x9a: {  	v2 =	vimm.f32 $0.0e+00;
	v3 =	vimm.f32 $0.0e+00;
	v4 =	vimm.f32 $0.0e+00  }
.LBB2_14:
0x9b: {  	s26 =	sshll.u32 s25, $0x9  }
0x9c: {  	s26 =	sshra.s32 s26, $0x2  }
0x9d: {  	s26 =	sadd.s32 $0xC840, s26  }
0x9e: {  	s31 =	ssub.s32 $0xC8, s25;
	v8 =	vld [tilespmem:s26+$0x30]  }
0x9f: {  	p0 =	sne.s32 s31, $0x1;
	v5 =	vld [tilespmem:s26+$0x10]  }
.Ltmp16:
0xa0: {  	v6 =	vld [tilespmem:s26+$0x20];
	(pc) =	sbr.rel @!p0 .LBB2_16-.Ltmp16, $2  }
0xa1: {  	v7 =	vld [tilespmem:s26+$0x0];
	_ =	sdelay $0x2  }
0xa2: {  	s25 =	sadd.s32 $0xFFFFFFFF, s31;
	s26 =	sadd.s32 $0x80, s26;
	v2 =	vadd.f32 v8, v2  }
.LBB2_15:
0xa3: {  	v8 =	vld [tilespmem:s26+$0x30];
	p0 =	sne.s32 s25, $0x1;
	s25 =	sadd.s32 $0xFFFFFFFF, s25;
	v3 =	vadd.f32 v5, v3  }
.Ltmp17:
0xa4: {  	v1 =	vadd.f32 v6, v1;
	v5 =	vld [tilespmem:s26+$0x10];
	(pc) =	sbr.rel @p0 .LBB2_15-.Ltmp17, $3  }
0xa5: {  	v4 =	vadd.f32 v7, v4;
	v6 =	vld [tilespmem:s26+$0x20]  }
0xa6: {  	v7 =	vld [tilespmem:s26+$0x0];
	_ =	sdelay $0x1  }
0xa7: {  	s26 =	sadd.s32 $0x80, s26;
	v2 =	vadd.f32 v8, v2  }
.Ltmp18:
0xa8: {  	_ = 	snop;
	(pc) =	sbr.rel .LBB2_16-.Ltmp18, $1  }
0xa9: {  	_ =	sdelay $0x3  }
.LBB2_18:
0xaa: {  	_ =	swait.ge [sflag:s18], $0x6400  }
0xab: {  	[sflag:s18] =	ssyncset.done $0x0  }
0xac: {  	[sflag:s18] =	ssyncadd.s32 $0xFFFF9C00  }
0xad: {  	v1 =	vld [tilespmem:$0x16C70];
	_ =	sdelay $0x4  }
0xae: {  	v1 =	vsel vm0, $0x0, v1  }
0xaf: {  	(xrf0) =	vadd.scan.msk.s32 $0xffff, v1;
	_ =	sdelay $0x5  }
0xb0: {  	v1, _, _ =	vpop (xrf0)  }
0xb1: {  	(v2sf) =	vpush v1, $0xF;
	_ =	sdelay $0xe  }
0xb2: {  	s22 =	spop (v2sf)  }
0xb3: {  	p0 =	sgt.s32 s22, $0x0  }
.Ltmp19:
0xb4: {  	_ = 	snop;
	(pc) =	sbr.rel @!p0 .LBB2_19-.Ltmp19, $2  }
0xb5: {  	_ =	sdelay $0x2  }
0xb6: {  	s24 =	simm.s32 $0x6420;
	v1 =	vimm.f32 $0.0e+00  }
0xb7: {  	v2 =	vld [tilespmem:s24+$0x10];
	p0 =	seq.s32 s22, $0x1  }
.Ltmp20:
0xb8: {  	v3 =	vld [tilespmem:s24+$0xFFFFFFF0];
	(pc) =	sbr.rel @p0 .LBB2_31-.Ltmp20, $3  }
0xb9: {  	v4 =	vld [tilespmem:s24+$0x0]  }
0xba: {  	v5 =	vld [tilespmem:s24+$0xFFFFFFE0];
	_ =	sdelay $0x1  }
0xbb: {  	s23 =	sadd.s32 $0xFFFFFFFF, s22;
	s24 =	sadd.s32 $0x80, s24;
	v6 =	vimm.f32 $0.0e+00;
	v7 =	vimm.f32 $0.0e+00;
	v2 =	vadd.f32 v2, v1  }
.LBB2_30:
0xbc: {  	v8 =	vld [tilespmem:s24+$0x10];
	p0 =	seq.s32 s23, $0x1;
	s23 =	sadd.s32 $0xFFFFFFFF, s23;
	v1 =	vadd.f32 v3, v1  }
.Ltmp21:
0xbd: {  	v3 =	vld [tilespmem:s24+$0xFFFFFFF0];
	v6 =	vadd.f32 v4, v6;
	(pc) =	sbr.rel @!p0 .LBB2_30-.Ltmp21, $3  }
0xbe: {  	v4 =	vld [tilespmem:s24+$0x0];
	v7 =	vadd.f32 v5, v7  }
0xbf: {  	v5 =	vld [tilespmem:s24+$0xFFFFFFE0];
	_ =	sdelay $0x1  }
0xc0: {  	s24 =	sadd.s32 $0x80, s24;
	v2 =	vadd.f32 v8, v2  }
.LBB2_31:
0xc1: {  	_ = 	snop  }
0xc2: {  	v3 =	vadd.f32 v3, v1  }
0xc3: {  	v1 =	vadd.f32 v4, v6;
	v4 =	vadd.f32 v5, v7  }
0xc4: {  	p0 =	sgt.u32 s22, $0xC7  }
.Ltmp22:
0xc5: {  	_ = 	snop;
	(pc) =	sbr.rel @p0 .LBB2_27-.Ltmp22, $4  }
.Ltmp23:
0xc6: {  	_ = 	snop;
	(pc) =	sbr.rel @!p0 .LBB2_24-.Ltmp23, $4  }
0xc7: {  	_ = 	snop  }
0xc8: {  	_ = 	snop  }
0xc9: {  	_ = 	snop  }
0xca: {  	_ = 	snop  }
.LBB2_19:
0xcb: {  	v2 =	vimm.f32 $0.0e+00;
	v3 =	vimm.f32 $0.0e+00;
	v4 =	vimm.f32 $0.0e+00  }
.LBB2_24:
0xcc: {  	s23 =	sshll.u32 s22, $0x9  }
0xcd: {  	s23 =	sshra.s32 s23, $0x2  }
0xce: {  	s31 =	ssub.s32 $0xC8, s22;
	s23 =	sadd.s32 $0x6470, s23  }
0xcf: {  	p0 =	sne.s32 s31, $0x1;
	v8 =	vld [tilespmem:s23+$0x0]  }
.Ltmp24:
0xd0: {  	v5 =	vld [tilespmem:s23+$0xFFFFFFE0];
	(pc) =	sbr.rel @!p0 .LBB2_26-.Ltmp24, $3  }
0xd1: {  	v6 =	vld [tilespmem:s23+$0xFFFFFFF0]  }
0xd2: {  	v7 =	vld [tilespmem:s23+$0xFFFFFFD0];
	_ =	sdelay $0x1  }
0xd3: {  	s22 =	sadd.s32 $0xFFFFFFFF, s31;
	s23 =	sadd.s32 $0x80, s23;
	v2 =	vadd.f32 v8, v2  }
.LBB2_25:
0xd4: {  	v8 =	vld [tilespmem:s23+$0x0];
	p0 =	sne.s32 s22, $0x1;
	s22 =	sadd.s32 $0xFFFFFFFF, s22;
	v3 =	vadd.f32 v5, v3  }
.Ltmp25:
0xd5: {  	v5 =	vld [tilespmem:s23+$0xFFFFFFE0];
	v1 =	vadd.f32 v6, v1;
	(pc) =	sbr.rel @p0 .LBB2_25-.Ltmp25, $3  }
0xd6: {  	v6 =	vld [tilespmem:s23+$0xFFFFFFF0];
	v4 =	vadd.f32 v7, v4  }
0xd7: {  	v7 =	vld [tilespmem:s23+$0xFFFFFFD0];
	_ =	sdelay $0x1  }
0xd8: {  	s23 =	sadd.s32 $0x80, s23;
	v2 =	vadd.f32 v8, v2  }
.LBB2_26:
0xd9: {  	_ = 	snop  }
0xda: {  	v3 =	vadd.f32 v5, v3  }
0xdb: {  	v1 =	vadd.f32 v6, v1;
	v4 =	vadd.f32 v7, v4  }
.LBB2_27:
0xdc: {  	v3 =	vmul.f32 $4.999999890e-03, v3  }
0xdd: {  	v2 =	vmul.f32 $4.999999890e-03, v2  }
0xde: {  	v4 =	vmul.f32 $4.999999890e-03, v4;
	[tilespmem:$0x16B10] =	vst v3  }
0xdf: {  	v1 =	vmul.f32 $4.999999890e-03, v1;
	[tilespmem:$0x16B30] =	vst v2  }
0xe0: {  	[tilespmem:$0x16B00] =	vst v4  }
0xe1: {  	[tilespmem:$0x16B20] =	vst v1  }
0xe2: {  	_ =	swait.ge [sflag:s19], $0x6400  }
0xe3: {  	[sflag:s19] =	ssyncset.done $0x0  }
0xe4: {  	[sflag:s19] =	ssyncadd.s32 $0xFFFF9C00  }
0xe5: {  	v1 =	vld [tilespmem:$0x16C70];
	_ =	sdelay $0x4  }
0xe6: {  	v1 =	vsel vm1, $0x0, v1  }
0xe7: {  	(xrf0) =	vadd.scan.msk.s32 $0xffff, v1;
	_ =	sdelay $0x5  }
0xe8: {  	v1, _, _ =	vpop (xrf0)  }
0xe9: {  	(v2sf) =	vpush v1, $0xF;
	_ =	sdelay $0xe  }
0xea: {  	s22 =	spop (v2sf)  }
0xeb: {  	p0 =	sgt.s32 s22, $0x0  }
.Ltmp26:
0xec: {  	_ = 	snop;
	(pc) =	sbr.rel @!p0 .LBB2_28-.Ltmp26, $2  }
0xed: {  	_ =	sdelay $0x2  }
0xee: {  	s24 =	simm.s32 $0xC800;
	v1 =	vimm.f32 $0.0e+00  }
0xef: {  	v2 =	vld [tilespmem:s24+$0x30];
	p0 =	seq.s32 s22, $0x1  }
.Ltmp27:
0xf0: {  	v3 =	vld [tilespmem:s24+$0x10];
	(pc) =	sbr.rel @p0 .LBB2_40-.Ltmp27, $3  }
0xf1: {  	v4 =	vld [tilespmem:s24+$0x20]  }
0xf2: {  	v5 =	vld [tilespmem:s24+$0x0];
	_ =	sdelay $0x1  }
0xf3: {  	s23 =	sadd.s32 $0xFFFFFFFF, s22;
	s24 =	sadd.s32 $0x80, s24;
	v6 =	vimm.f32 $0.0e+00;
	v7 =	vimm.f32 $0.0e+00;
	v2 =	vadd.f32 v2, v1  }
.LBB2_39:
0xf4: {  	v8 =	vld [tilespmem:s24+$0x30];
	p0 =	seq.s32 s23, $0x1;
	s23 =	sadd.s32 $0xFFFFFFFF, s23;
	v1 =	vadd.f32 v3, v1  }
.Ltmp28:
0xf5: {  	v3 =	vld [tilespmem:s24+$0x10];
	v6 =	vadd.f32 v4, v6;
	(pc) =	sbr.rel @!p0 .LBB2_39-.Ltmp28, $3  }
0xf6: {  	v4 =	vld [tilespmem:s24+$0x20];
	v7 =	vadd.f32 v5, v7  }
0xf7: {  	v5 =	vld [tilespmem:s24+$0x0];
	_ =	sdelay $0x1  }
0xf8: {  	s24 =	sadd.s32 $0x80, s24;
	v2 =	vadd.f32 v8, v2  }
.LBB2_40:
0xf9: {  	_ = 	snop  }
0xfa: {  	v3 =	vadd.f32 v3, v1  }
0xfb: {  	v1 =	vadd.f32 v4, v6;
	v4 =	vadd.f32 v5, v7  }
0xfc: {  	p0 =	sgt.u32 s22, $0xC7  }
.Ltmp29:
0xfd: {  	_ = 	snop;
	(pc) =	sbr.rel @p0 .LBB2_36-.Ltmp29, $4  }
.Ltmp30:
0xfe: {  	_ = 	snop;
	(pc) =	sbr.rel @!p0 .LBB2_33-.Ltmp30, $4  }
0xff: {  	_ = 	snop  }
0x100: {  	_ = 	snop  }
0x101: {  	_ = 	snop  }
0x102: {  	_ = 	snop  }
.LBB2_28:
0x103: {  	v2 =	vimm.f32 $0.0e+00;
	v3 =	vimm.f32 $0.0e+00;
	v4 =	vimm.f32 $0.0e+00  }
.LBB2_33:
0x104: {  	s23 =	sshll.u32 s22, $0x9  }
0x105: {  	s23 =	sshra.s32 s23, $0x2  }
0x106: {  	s23 =	sadd.s32 $0xC840, s23  }
0x107: {  	s31 =	ssub.s32 $0xC8, s22;
	v8 =	vld [tilespmem:s23+$0x30]  }
0x108: {  	p0 =	sne.s32 s31, $0x1;
	v5 =	vld [tilespmem:s23+$0x10]  }
.Ltmp31:
0x109: {  	v6 =	vld [tilespmem:s23+$0x20];
	(pc) =	sbr.rel @!p0 .LBB2_35-.Ltmp31, $2  }
0x10a: {  	v7 =	vld [tilespmem:s23+$0x0];
	_ =	sdelay $0x2  }
0x10b: {  	s22 =	sadd.s32 $0xFFFFFFFF, s31;
	s23 =	sadd.s32 $0x80, s23;
	v2 =	vadd.f32 v8, v2  }
.LBB2_34:
0x10c: {  	v8 =	vld [tilespmem:s23+$0x30];
	p0 =	sne.s32 s22, $0x1;
	s22 =	sadd.s32 $0xFFFFFFFF, s22;
	v3 =	vadd.f32 v5, v3  }
.Ltmp32:
0x10d: {  	v1 =	vadd.f32 v6, v1;
	v5 =	vld [tilespmem:s23+$0x10];
	(pc) =	sbr.rel @p0 .LBB2_34-.Ltmp32, $3  }
0x10e: {  	v4 =	vadd.f32 v7, v4;
	v6 =	vld [tilespmem:s23+$0x20]  }
0x10f: {  	v7 =	vld [tilespmem:s23+$0x0];
	_ =	sdelay $0x1  }
0x110: {  	s23 =	sadd.s32 $0x80, s23;
	v2 =	vadd.f32 v8, v2  }
.Ltmp33:
0x111: {  	_ = 	snop;
	(pc) =	sbr.rel .LBB2_35-.Ltmp33, $1  }
0x112: {  	_ =	sdelay $0x3  }
.LBB2_37:
0x113: {  	_ =	sfence.sel $0x180000  }
0x114: {  	[bflag:$0x0] =	sbarrier.arrive $0xFFFF  }
0x115: {  	p0 =	sne.s32 s1, $0x0;
	_ =	strace $0x9000004A  }
0x116: {  	s0 =	sadd.s32 @!p0 $0x100000, s0;
	[bflag:$0x2] =	sbarrier.arrive $0xFFFF  }
0x117: {  	[sflag:s0] =	ssyncadd.tile.s32 @!p0 $0x1;
	_ =	shalt  }
.Lfunc_end2:
_tile_overlayer_lowered:
.L_overlay_start_2:
0x118: {  	(tag) =	ssettag $0x2  }
0x119: {  	s0 =	rddreg [dreg:$0x0];
	s2 =	stileid.u32  }
0x11a: {  	s1 =	rddreg [dreg:$0x1];
	p0 =	sne.s32 s2, $0x0  }
0x11b: {  	s3 =	rddreg [dreg:$0x2];
	[bflag:$0x3] =	sbarrier.arrive $0xFFFF;
	s2 =	simm.s32 @!p0 $0x1C03  }
0x11c: {  	[timem:s3], [sflag:s2] =	dma.local @!p0 [hbm:s0], s1  }
0x11d: {  	s0 =	simm.s32 @!p0 $0x3  }
0x11e: {  	_ =	swait.ge @!p0 [sflag:s0], s1  }
0x11f: {  	s1 =	ssub.s32 @!p0 $0x0, s1;
	[sflag:s0] =	ssyncset.done @!p0 $0x0  }
0x120: {  	[sflag:s0] =	ssyncadd.s32 @!p0 s1  }
0x121: {  	[bflag:$0x3] =	sbarrier.arrive $0xFFFF  }
0x122: {  	_ =	shalt  }

// kernel: scatter_offload_async_start
scs
__scs_entry_jumppad:
0x0: {  	(pc) =	sbr.rel $0x88, $3  }
0x1: {  	(tag) =	ssettag $0x0;
	lr =	simm.s32 $0x1  }
0x2: {  	[smem:$0x3F9D] =	sst lr;
	_ =	strace $0xD0000000  }
0x3: {  	_ = 	snop  }
0x4: {  	_ = 	snop  }
0x5: {  	_ = 	snop  }
0x6: {  	_ = 	snop  }
0x7: {  	_ = 	snop  }
__scs_overlays_trampoline_lowered:
0x8: {  	[smem:$0x3FAC] =	sst s0  }
0x9: {  	[smem:$0x3FAD] =	sst s1  }
0xa: {  	[smem:$0x3FAE] =	sst s2  }
0xb: {  	[smem:$0x3FAF] =	sst s3  }
0xc: {  	[smem:$0x3FB0] =	sst s4  }
0xd: {  	[smem:$0x3FB1] =	sst s5  }
0xe: {  	[smem:$0x3FB2] =	sst s6  }
0xf: {  	[smem:$0x3FB3] =	sst s7  }
0x10: {  	[smem:$0x3FB4] =	sst s8  }
0x11: {  	[smem:$0x3FB5] =	sst s9;
	s0 =	simm.s32 @!p0 $0x0  }
0x12: {  	s1 =	sld [smem:$0x3F9B];
	s0 =	simm.s32 @p0 $0x1  }
0x13: {  	[smem:$0x3FB6] =	sst s0;
	s0 =	simm.s32 @!p1 $0x0  }
0x14: {  	s2 =	sld [smem:$0x3F9A];
	s0 =	simm.s32 @p1 $0x1  }
0x15: {  	[smem:$0x3FB7] =	sst s0;
	s0 =	simm.s32 @!p2 $0x0  }
0x16: {  	s3 =	sld [smem:$0x3FDB];
	s0 =	simm.s32 @p2 $0x1  }
0x17: {  	s4 =	simm.s32 $0x1BF5;
	[smem:$0x3FB9] =	sst s0  }
0x18: {  	s0 =	sld [smem:$0x3F9C];
	_ =	swait.ge [sflag:s4], $0x0  }
0x19: {  	s7 =	sld [smem:$0x3F9D]  }
0x1a: {  	s8 =	sadd.s32 $0xFFFFE003, lr  }
0x1b: {  	s9 =	sadd.s32 $0xFFFFFEF7, lr;
	s5 =	simm.s32 $0xFFFFFFFF;
	p2 =	slt.u32 s8, $0xFFFFF086  }
0x1c: {  	p1 =	slt.u32 s9, $0xF7A;
	s5 =	simm.s32 @!p2 $0x0  }
0x1d: {  	s5 =	simm.s32 @p1 $0x1;
	p0 =	seq.s32 s7, s2  }
0x1e: {  	s7 =	smul.u32 @!p0 $0xF7A, s2;
	p2 =	seq.s32 @!p0 s5, $0x0  }
0x1f: {  	s9 =	smul.u32 $0xF7A, s1;
	s8 =	simm.s32 @!p0 $0x1BF5;
	p2 =	por !p2, p0  }
0x20: {  	[sflag:s8] =	ssyncset.s32 @!p0 $0xFFFFF086;
	s6 =	sadd.s32 @!p0 s3, s7;
	s7 =	simm.s32 @!p0 $0x108  }
0x21: {  	s3 =	sadd.s32 s3, s9;
	s6 =	sadd.s32 @!p0 $0x88, s6;
	s7 =	simm.s32 @p2 $0x1082  }
0x22: {  	[simem:s7], [sflag:s8] =	dma.local @!p0 [hbm:s6], $0xF7A  }
0x23: {  	s9 =	sor.u32 $0xD0000000, s2;
	s6 =	simm.s32 $0x108;
	_ =	swait.ge @!p0 [sflag:s8], $0x0  }
0x24: {  	s3 =	sadd.s32 $0x88, s3;
	s6 =	simm.s32 @!p1 $0x1082;
	[sflag:s4] =	ssyncset.s32 $0xFFFFF086  }
0x25: {  	[simem:s6], [sflag:s4] =	dma.local [hbm:s3], $0xF7A  }
0x26: {  	[smem:$0x3F9D] =	sst s1;
	(tag) =	ssettag s2;
	_ =	strace s9  }
0x27: {  	s1 =	sld [smem:$0x3FAD]  }
0x28: {  	s2 =	sld [smem:$0x3FAE]  }
0x29: {  	s4 =	sld [smem:$0x3FB0]  }
0x2a: {  	p0 =	seq.s32 s5, $0x0;
	s5 =	sld [smem:$0x3FB1]  }
0x2b: {  	s6 =	sld [smem:$0x3FB2]  }
0x2c: {  	s7 =	sld [smem:$0x3FB3]  }
0x2d: {  	s3 =	simm.s32 $0x108;
	s8 =	sld [smem:$0x3FB4]  }
0x2e: {  	s3 =	simm.s32 @!p0 $0x1082;
	s9 =	sld [smem:$0x3FB5]  }
0x2f: {  	lr =	sadd.s32 s0, s3;
	s0 =	sld [smem:$0x3FAC]  }
0x30: {  	s3 =	sld [smem:$0x3FAF]  }
0x31: {  	[smem:$0x3FB8] =	sst s10  }
0x32: {  	s10 =	sld [smem:$0x3FB6];
	_ =	sdelay $0x3  }
0x33: {  	p0 =	seq.s32 s10, $0x1;
	s10 =	sld [smem:$0x3FB8];
	_ =	sdelay $0x3  }
0x34: {  	[smem:$0x3FB8] =	sst s10  }
0x35: {  	s10 =	sld [smem:$0x3FB7];
	_ =	sdelay $0x3  }
0x36: {  	p1 =	seq.s32 s10, $0x1;
	s10 =	sld [smem:$0x3FB8];
	_ =	sdelay $0x3  }
0x37: {  	[smem:$0x3FB8] =	sst s10  }
0x38: {  	s10 =	sld [smem:$0x3FB9]  }
0x39: {  	_ = 	snop;
	(pc) =	sbr.ind lr, $3  }
0x3a: {  	_ = 	snop  }
0x3b: {  	_ = 	snop  }
0x3c: {  	p2 =	seq.s32 s10, $0x1;
	s10 =	sld [smem:$0x3FB8]  }
0x3d: {  	_ =	shalt  }
0x3e: {  	_ =	shalt  }
0x3f: {  	_ =	shalt  }
0x40: {  	_ =	shalt  }
0x41: {  	_ =	shalt  }
0x42: {  	_ =	shalt  }
0x43: {  	_ =	shalt  }
0x44: {  	_ =	shalt  }
0x45: {  	_ =	shalt  }
0x46: {  	_ =	shalt  }
0x47: {  	_ =	shalt  }
0x48: {  	_ =	shalt  }
0x49: {  	_ =	shalt  }
0x4a: {  	_ =	shalt  }
0x4b: {  	_ =	shalt  }
0x4c: {  	_ =	shalt  }
0x4d: {  	_ =	shalt  }
0x4e: {  	_ =	shalt  }
0x4f: {  	_ =	shalt  }
0x50: {  	_ =	shalt  }
0x51: {  	_ =	shalt  }
0x52: {  	_ =	shalt  }
0x53: {  	_ =	shalt  }
0x54: {  	_ =	shalt  }
0x55: {  	_ =	shalt  }
0x56: {  	_ =	shalt  }
0x57: {  	_ =	shalt  }
0x58: {  	_ =	shalt  }
0x59: {  	_ =	shalt  }
0x5a: {  	_ =	shalt  }
0x5b: {  	_ =	shalt  }
0x5c: {  	_ =	shalt  }
0x5d: {  	_ =	shalt  }
0x5e: {  	_ =	shalt  }
0x5f: {  	_ =	shalt  }
0x60: {  	_ =	shalt  }
0x61: {  	_ =	shalt  }
0x62: {  	_ =	shalt  }
0x63: {  	_ =	shalt  }
0x64: {  	_ =	shalt  }
0x65: {  	_ =	shalt  }
0x66: {  	_ =	shalt  }
0x67: {  	_ =	shalt  }
0x68: {  	_ =	shalt  }
0x69: {  	_ =	shalt  }
0x6a: {  	_ =	shalt  }
0x6b: {  	_ =	shalt  }
0x6c: {  	_ =	shalt  }
0x6d: {  	_ =	shalt  }
0x6e: {  	_ =	shalt  }
0x6f: {  	_ =	shalt  }
0x70: {  	_ =	shalt  }
0x71: {  	_ =	shalt  }
0x72: {  	_ =	shalt  }
0x73: {  	_ =	shalt  }
0x74: {  	_ =	shalt  }
0x75: {  	_ =	shalt  }
0x76: {  	_ =	shalt  }
0x77: {  	_ =	shalt  }
0x78: {  	_ =	shalt  }
0x79: {  	_ =	shalt  }
0x7a: {  	_ =	shalt  }
0x7b: {  	_ =	shalt  }
0x7c: {  	_ =	shalt  }
0x7d: {  	_ =	shalt  }
0x7e: {  	_ =	shalt  }
0x7f: {  	_ =	shalt  }
0x80: {  	_ =	shalt  }
0x81: {  	_ =	shalt  }
0x82: {  	_ =	shalt  }
0x83: {  	_ =	shalt  }
0x84: {  	_ =	shalt  }
0x85: {  	_ =	shalt  }
0x86: {  	_ =	shalt  }
0x87: {  	_ =	shalt  }
.Lfunc_end0:
.L_simem_size_0:
called_computation_lowered:
.L_overlay_start_0:
0x88: {  	s0 =	sld [smem:$0x3FD9]  }
0x89: {  	s1 =	sld [smem:$0x3FFE];
	_ =	sdelay $0x3  }
0x8a: {  	s0 =	sadd.s32 s1, s0  }
0x8b: {  	[smem:$0x3FC4] =	sst s0  }
0x8c: {  	_ = 	snop  }
0x8d: {  	(tm) =	ssettm $0x1  }
0x8e: {  	s15 =	sld [smem:$0x3FFB];
	_ =	sdelay $0x3  }
0x8f: {  	_ =	strace s15  }
0x90: {  	s0 =	sld [smem:$0x3FFC];
	_ =	sdelay $0x3  }
0x91: {  	_ =	strace s0  }
0x92: {  	s0 =	sld [smem:$0x3FFD];
	_ =	sdelay $0x3  }
0x93: {  	_ =	strace s0  }
0x94: {  	_ =	strace $0x8FFFFFFF  }
0x95: {  	s16 =	sld [smem:$0x3FDB];
	_ =	sdelay $0x1  }
0x96: {  	s17 =	simm.s32 $_scs_section_size  }
0x97: {  	s2 =	simm.s32 $_size__tile_overlayer_lowered;
	s3 =	simm.s32 $_tile_overlayer_lowered  }
0x98: {  	s20 =	simm.s32 $0x1BFF;
	s19 =	sshll.u32 s3, $0x1;
	s0 =	sadd.s32 s17, s16  }
0x99: {  	s4 =	simm.s32 $0x0;
	s18 =	sshll.u32 s2, $0x1;
	s2 =	sadd.s32 s19, s0  }
0x9a: {  	[timem:s4], [sflag:s20] =	dma.local [hbm:s2], s18  }
0x9b: {  	_ =	swait.ge [sflag:s20], s18  }
0x9c: {  	s1 =	ssub.s32 $0x0, s18;
	[sflag:s20] =	ssyncset.done $0x0  }
0x9d: {  	[sflag:s20] =	ssyncadd.s32 s1;
	_ =	sdelay $0x1  }
0x9e: {  	s21 =	simm.s32 $0x1B8B  }
0x9f: {  	_ =	swait.ge [sflag:s21], $0x1  }
0xa0: {  	[sflag:s21] =	ssyncset.done $0x0  }
0xa1: {  	s23 =	simm.s32 $0x1B8E;
	s22 =	sld [smem:$0x3FFE];
	[sflag:s21] =	ssyncadd.s32 $0xFFFFFFFF  }
0xa2: {  	s24 =	simm.s32 $execute0_lowered;
	[smem:$0x3FD2] =	sst s23  }
0xa3: {  	s2 =	sshll.u32 s24, $0x1;
	_ =	strace $0x80000046;
	[dreg:$0x1] =	wrdreg $0xFFFFFFFF  }
0xa4: {  	s25 =	simm.s32 $_size_execute0_lowered;
	s0 =	sadd.s32 s0, s2;
	[dreg:$0x0] =	wrdreg $0x0  }
0xa5: {  	s2 =	sshll.u32 s25, $0x1;
	[dreg:$0x2] =	wrdreg s0  }
0xa6: {  	[dreg:$0x3] =	wrdreg s2  }
0xa7: {  	[dreg:$0x4] =	wrdreg $0xC0  }
0xa8: {  	_ =	task [dreg:s4], $0x5FFFF  }
0xa9: {  	[dreg:$0x1] =	wrdreg $0xFFFFFFFF  }
0xaa: {  	[dreg:$0x0] =	wrdreg $0x60  }
0xab: {  	[dreg:$0x2] =	wrdreg s22  }
0xac: {  	[dreg:$0x3] =	wrdreg $0x9  }
0xad: {  	_ =	task.clear_ibuf [dreg:s4], $0x4FFFF;
	_ =	strace $0x90000046  }
0xae: {  	s26 =	simm.s32 $0x9;
	_ =	strace $0x80000048  }
0xaf: {  	_ =	swait.ge [sflag:s26], $0x1  }
0xb0: {  	[sflag:s26] =	ssyncadd.s32 $0xFFFFFFFF  }
0xb1: {  	_ =	strace $0x90000048  }
0xb2: {  	_ =	sfence  }
0xb3: {  	s28 =	sld [smem:$0x0];
	_ =	sdelay $0x1  }
0xb4: {  	s29 =	srdreg.scid  }
0xb5: {  	s30 =	sshll.u32 s29, $0xD;
	s31 =	sshrl.u32 s29, $0x2  }
0xb6: {  	s1 =	sand.u32 $0x1, s29;
	s2 =	sand.u32 $0x4000, s30;
	s0 =	sadd.s32 s31, s28  }
0xb7: {  	s1 =	sor.u32 s2, s1;
	s0 =	sshll.u32 s0, $0x11  }
0xb8: {  	s0 =	sor.u32 s0, s1  }
0xb9: {  	s0 =	sadd.s32 $0x8F2B, s0  }
0xba: {  	[sflag:s0] =	ssyncadd.remote.s32 $0x1  }
0xbb: {  	_ =	sfence.sel $0xFFFF  }
0xbc: {  	[dreg:$0x0] =	wrdreg $0xFFFFFFFF;
	(pc) =	sbr.abs _section_cstart, $3  }
0xbd: {  	[dreg:$0x1] =	wrdreg $0xFFFFFFFF  }
0xbe: {  	_ =	task.clear_ibuf [dreg:s4], $0x2FFFF;
	_ =	strace $0x9FFFFFFF  }
0xbf: {  	(tm) =	ssettm $0x7FFFFFFF  }
tec
execute0_lowered:
.L_overlay_start_1:
0x0: {  	(tag) =	ssettag $0x1  }
0x1: {  	s2 =	rddreg [dreg:$0x0]  }
0x2: {  	s0 =	rddreg [dreg:$0x1];
	_ =	strace $0x80000047;
	s3 =	stileid.u32  }
0x3: {  	s5 =	simm.s32 $0x3E;
	s9 =	simm.s32 $0x0;
	s11 =	simm.s32 $0x0  }
0x4: {  	s1 =	sadd.s32 $0xF74400, s2;
	p0 =	sne.s32 s3, $0x0;
	[sflag:s5] =	ssyncpa.u1 $0x0  }
0x5: {  	s30 =	smul.u32 $0x6, s3;
	s4 =	simm.s32 @!p0 $0x1C3E;
	s6 =	simm.s32 @!p0 $0x0  }
0x6: {  	[spmem:s6], [sflag:s4] =	dma.local @!p0 [hbm:s1], $0x19000  }
0x7: {  	s7 =	smin.u32 s3, $0x4;
	p1 =	slt.u32 s3, $0x4;
	s4 =	simm.s32 @!p0 $0x3E  }
0x8: {  	s6 =	sadd.s32 s7, s30;
	s7 =	simm.s32 $0xE000;
	_ =	swait.ge @!p0 [sflag:s4], $0x19000  }
0x9: {  	s3 =	sshll.u32 s6, $0xD;
	s7 =	simm.s32 @!p1 $0xC000;
	s6 =	simm.s32 $0x2  }
0xa: {  	[sflag:s4] =	ssyncset.done @!p0 $0x0;
	s31 =	sadd.s32 s7, s3;
	s7 =	sadd.s32 $0x19000, s2  }
.Ltmp0:
0xb: {  	[sflag:s4] =	ssyncadd.s32 @!p0 $0xFFFE7000;
	s4 =	smin.u32 s31, $0xC8000;
	(pc) =	sbr.rel .LBB2_1-.Ltmp0, $4  }
0xc: {  	s10 =	smov.u32 s3;
	[bflag:$0x0] =	sbarrier.arrive $0xFFFF;
	s8 =	ssub.s32 s4, s3  }
0xd: {  	[sflag:s5] =	ssyncpa.u1 $0x1;
	s5 =	simm.s32 $0x1;
	p1 =	sgt.s32 s8, $0x0  }
0xe: {  	[sflag:s5] =	ssyncpa.u1 $0x0;
	(ifvalue) =	ssetifvalue $0xC8000;
	s8 =	simm.s32 @!p1 $0x0  }
0xf: {  	vm0 =	vmmov $0xffff;
	[sflag:s6] =	ssyncpa.u1 $0x0;
	p1 =	por $0x0, $0x0;
	s8 =	sshrl.u32 s8, $0xD  }
.LBB2_5:
0x10: {  	p3 =	sne.s32 s11, s8  }
.Ltmp1:
0x11: {  	_ = 	snop;
	(pc) =	sbr.rel @!p3 .LBB2_6-.Ltmp1, $4  }
0x12: {  	_ = 	snop  }
0x13: {  	s12 =	sadd.s32 $0x2000, s10  }
0x14: {  	s10 =	smov.u32 s3;
	s13 =	sadd.s32 $0x1, s11;
	p2 =	slt.s32 s12, s4  }
0x15: {  	p1 =	por !p1, !p1;
	s11 =	smov.u32 s13;
	s10 =	smov.u32 @p2 s12  }
.LBB2_1:
0x16: {  	p2 =	sge.u32 s11, s8  }
0x17: {  	s12 =	sxor.u32 @!p2 $0xFFFFFFFF, s11  }
0x18: {  	s12 =	sshll.u32 @!p2 s12, $0xD  }
0x19: {  	s13 =	sshrl.u32 @!p2 s10, $0x3;
	s12 =	sand.u32 @!p2 $0x2000, s12  }
0x1a: {  	s16 =	sand.u32 @!p2 $0x7, s10;
	s14 =	sadd.s32 @!p2 s2, s13;
	s15 =	sor.u32 @!p2 $0xC800, s12  }
0x1b: {  	[tilespmem:s15], [sflag:$0x2] =	stream.linear.gather @!p2 [hbm4b:s14+s16], $0x2000, $0x38;
	[tilespmem:$0x14800] =	vst v63  }
0x1c: {  	s13 =	sadd.s32 @!p2 s7, s13;
	s12 =	sor.u32 @!p2 $0x10800, s12  }
0x1d: {  	[tilespmem:s12], [sflag:$0x2] =	stream.linear.gather @!p2 [hbm4b:s13+s16], $0x2000, $0x38;
	[tilespmem:$0x14800] =	vst v63  }
0x1e: {  	p2 =	seq.s32 s11, $0x0  }
.Ltmp2:
0x1f: {  	_ = 	snop;
	(pc) =	sbr.rel @p2 .LBB2_5-.Ltmp2, $1  }
0x20: {  	_ =	sdelay $0x3  }
0x21: {  	s12 =	simm.s32 $0x1  }
0x22: {  	_ =	swait.ge [sflag:s6], $0x4000;
	s12 =	simm.s32 @!p1 $0x0  }
0x23: {  	[sflag:s6] =	ssyncset.done $0x0;
	s12 =	sshll.u32 s12, $0xD  }
0x24: {  	[sflag:s6] =	ssyncadd.s32 $0xFFFFC000;
	s14 =	sor.u32 $0xC800, s12  }
0x25: {  	v0 =	vld.msk [tilespmem:s14+$0x0 ss:$0x1], $0xffff;
	_ =	sdelay $0x4  }
0x26: {  	v0 =	vmin.u32 v0, $0xC8000;
	_ =	sdelay $0x3  }
0x27: {  	s13 =	simm.s32 $0x0;
	s12 =	sor.u32 $0x10800, s12;
	s14 =	sadd.s32 $0x10, s14  }
0x28: {  	[spmem:s9] =	stream.indirect_vreg.scatter.add.s32 [tilespmem:s12], [sflag:$0x1], $0x1, v0, vm0, $0x4038;
	[tilespmem:$0x14800] =	vst v63  }
.LBB2_3:
0x29: {  	v0 =	vld.msk [tilespmem:s14+$0x0 ss:$0x1], $0xffff;
	s13 =	sadd.s32 $0x10, s13  }
0x2a: {  	p2 =	slt.u32 s13, $0x1FF0;
	_ =	sdelay $0x4  }
0x2b: {  	v0 =	vmin.u32 v0, $0xC8000  }
.Ltmp3:
0x2c: {  	(pc) =	sbr.rel @p2 .LBB2_3-.Ltmp3, $3  }
0x2d: {  	_ =	sdelay $0x1  }
0x2e: {  	s14 =	sadd.s32 $0x10, s14;
	s12 =	sadd.s32 $0x10, s12  }
0x2f: {  	[spmem:s9] =	stream.indirect_vreg.scatter.add.s32 [tilespmem:s12], [sflag:$0x1], $0x1, v0, vm0, $0x4038;
	[tilespmem:$0x14800] =	vst v63  }
.Ltmp4:
0x30: {  	(pc) =	sbr.rel .LBB2_5-.Ltmp4, $4  }
0x31: {  	_ = 	snop  }
0x32: {  	_ =	swait.ge [sflag:s5], $0x2000  }
0x33: {  	[sflag:s5] =	ssyncset.done $0x0  }
0x34: {  	[sflag:s5] =	ssyncadd.s32 $0xFFFFE000  }
.LBB2_6:
0x35: {  	_ =	sfence.sel $0x180000  }
0x36: {  	s2 =	simm.s32 $0x2;
	[bflag:$0x0] =	sbarrier.arrive $0xFFFF  }
0x37: {  	s30 =	simm.s32 $0x1;
	[sflag:s2] =	ssyncpa.u1 $0x1  }
0x38: {  	[sflag:s30] =	ssyncpa.u1 $0x1  }
0x39: {  	_ =	sfence.stream.spmem  }
0x3a: {  	s31 =	simm.s32 $0x3D;
	[bflag:$0x0] =	sbarrier.arrive $0xFFFF  }
0x3b: {  	s2 =	simm.s32 @p0 $0x3D;
	[sflag:s31] =	ssyncpa.u1 $0x0  }
0x3c: {  	[sflag:s2] =	ssyncpa.u1 @p0 $0x1  }
0x3d: {  	[bflag:$0x0] =	sbarrier.arrive @p0 $0xFFFF  }
0x3e: {  	_ =	strace @p0 $0x90000047  }
0x3f: {  	s3 =	simm.s32 @!p0 $0x1C3D;
	s2 =	simm.s32 @!p0 $0x0;
	[bflag:$0x2] =	sbarrier.arrive @p0 $0xFFFF  }
0x40: {  	[hbm:s1], [sflag:s3] =	dma.local @!p0 [spmem:s2], $0x19000  }
0x41: {  	s1 =	simm.s32 @!p0 $0x3D  }
0x42: {  	_ =	swait.ge @!p0 [sflag:s1], $0x19000  }
0x43: {  	[sflag:s1] =	ssyncset.done @!p0 $0x0  }
0x44: {  	[sflag:s1] =	ssyncadd.s32 @!p0 $0xFFFE7000  }
0x45: {  	[sflag:s1] =	ssyncpa.u1 @!p0 $0x1  }
0x46: {  	[bflag:$0x0] =	sbarrier.arrive @!p0 $0xFFFF  }
0x47: {  	_ =	strace @!p0 $0x90000047  }
0x48: {  	s0 =	sadd.s32 @!p0 $0x100000, s0;
	[bflag:$0x2] =	sbarrier.arrive @!p0 $0xFFFF  }
0x49: {  	[sflag:s0] =	ssyncadd.tile.s32 @!p0 $0x1;
	_ =	shalt  }
.Lfunc_end2:
_tile_overlayer_lowered:
.L_overlay_start_2:
0x4a: {  	(tag) =	ssettag $0x2  }
0x4b: {  	s0 =	rddreg [dreg:$0x0];
	s2 =	stileid.u32  }
0x4c: {  	s1 =	rddreg [dreg:$0x1];
	p0 =	sne.s32 s2, $0x0  }
0x4d: {  	s3 =	rddreg [dreg:$0x2];
	[bflag:$0x3] =	sbarrier.arrive $0xFFFF;
	s2 =	simm.s32 @!p0 $0x1C01  }
0x4e: {  	[timem:s3], [sflag:s2] =	dma.local @!p0 [hbm:s0], s1  }
0x4f: {  	s0 =	simm.s32 @!p0 $0x1  }
0x50: {  	_ =	swait.ge @!p0 [sflag:s0], s1  }
0x51: {  	s1 =	ssub.s32 @!p0 $0x0, s1;
	[sflag:s0] =	ssyncset.done @!p0 $0x0  }
0x52: {  	[sflag:s0] =	ssyncadd.s32 @!p0 s1  }
0x53: {  	[bflag:$0x3] =	sbarrier.arrive $0xFFFF  }
0x54: {  	_ =	shalt  }

</sc_bundles>
